<compile_context>
chip_gen: v7x
topology: tpu7x:2x2x1
jax: 0.10.2.dev20260603
libtpu: 0.0.44.dev20260713+nightly
codegen_flags: <defaults>
</compile_context>

<pallas_src>
import jax
import jax.numpy as jnp
from jax import lax
from jax.experimental import pallas as pl
from jax.experimental.pallas import tpu as pltpu
from jax.experimental.pallas import tpu_sc as plsc

_B = 4096
_D = 784
_DP = 1024
_DPW = _DP // 2
_H = 512
_O = 10
_E = 8
_T = 256
_NT = 23
_NTP = 32
_PMAX = _NT * _T
_CB = 512
_OP = 128
_EPS = 2.220446049250313e-16

_NC = 2
_NS = 16
_NW = _NC * _NS
_BPW = _B // _NW


_CH = 256
_NCH = _B // _CH


def _router_body(xt_ref, wg_ref, xg_ref, pos_ref, eot_ref, act_ref,
                 base_ref, rank_s, arg_s, po_s):
    t = pl.program_id(0)

    @pl.when(t == 0)
    def _():
        base_ref[...] = jnp.zeros((_E, 1), jnp.float32)

    @pl.when(t < _NCH)
    def _():
        xt_t = xt_ref[...]
        logits = lax.dot_general(
            wg_ref[...], xt_t, (((0,), (0,)), ((), ())),
            preferred_element_type=jnp.float32)
        m = jnp.max(logits, axis=0, keepdims=True)
        el = jnp.exp(logits - m)
        probs = el / jnp.sum(el, axis=0, keepdims=True)
        pmax = jnp.max(probs, axis=0, keepdims=True)
        eids = lax.broadcasted_iota(jnp.int32, (_E, _CH), 0)
        is_max = probs == pmax
        arg = jnp.min(jnp.where(is_max, eids, _E), axis=0, keepdims=True)
        oh = (eids == arg).astype(jnp.float32)

        tri = (lax.broadcasted_iota(jnp.int32, (_CH, _CH), 0)
               <= lax.broadcasted_iota(jnp.int32, (_CH, _CH), 1)
               ).astype(jnp.float32)
        intra = jnp.dot(oh, tri, preferred_element_type=jnp.float32)
        cumk = intra + base_ref[...]
        base_ref[...] = cumk[:, _CH - 1:_CH]
        rank = jnp.sum(cumk * oh, axis=0, keepdims=True) - 1.0
        rank_s[pl.ds(t, 1), :] = rank
        arg_s[pl.ds(t, 1), :] = arg

        def rb(u):
            return (u + 0x7FFF + ((u >> 16) & 1)) & jnp.int32(-65536)

        hw = _D // 2
        u_all = lax.bitcast_convert_type(xt_t, jnp.int32)
        lo_w = lax.shift_right_logical(rb(u_all[0:hw, :]), 16)
        hi_w = rb(u_all[hw:_D, :])
        words = hi_w | lo_w

        gate = pmax / (pmax + 1e-6)
        ghb = rb(lax.bitcast_convert_type(gate, jnp.int32))
        g_hi_val = lax.bitcast_convert_type(ghb, jnp.float32)
        glb = rb(lax.bitcast_convert_type(gate - g_hi_val, jnp.int32))
        gate_word = glb | lax.shift_right_logical(ghb, 16)

        xw = jnp.concatenate(
            [words, gate_word,
             jnp.zeros((_DPW - hw - 1, _CH), jnp.int32)], axis=0)
        xg_ref[...] = jnp.transpose(xw)

    @pl.when(t == _NCH - 1)
    def _():
        counts_i = jnp.transpose(base_ref[...]).astype(jnp.int32)
        aligned_i = ((counts_i + (_T - 1)) >> 8) << 8
        excl = (lax.broadcasted_iota(jnp.int32, (_E, _E), 0)
                < lax.broadcasted_iota(jnp.int32, (_E, _E), 1)
                ).astype(jnp.float32)
        po_f = jnp.dot(aligned_i.astype(jnp.float32), excl,
                       preferred_element_type=jnp.float32)
        po_s[...] = po_f
        po_i = po_f.astype(jnp.int32)
        s = lax.broadcasted_iota(jnp.int32, (_NTP, 1), 0) * _T
        e_t = jnp.sum((po_i <= s).astype(jnp.int32), axis=1, keepdims=True) - 1
        end_i = po_i + counts_i
        oh_t = (lax.broadcasted_iota(jnp.int32, (_NTP, _E), 1) == e_t)
        end_t = jnp.sum(jnp.where(oh_t, jnp.broadcast_to(end_i, (_NTP, _E)), 0),
                        axis=1, keepdims=True)
        eot_ref[...] = e_t
        act_ref[...] = (s < end_t).astype(jnp.int32)

    @pl.when(t == _NCH)
    def _():
        arg_all = arg_s[...]
        po_v = po_s[...]
        acc = jnp.zeros((_NCH, _CH), jnp.float32)
        for e in range(_E):
            acc = acc + jnp.where(arg_all == e, po_v[0:1, e:e + 1], 0.0)
        pos_ref[...] = (acc + rank_s[...]).astype(jnp.int32)


def _router(xt, w_gate):
    return pl.pallas_call(
        _router_body,
        grid=(_NCH + 1,),
        in_specs=[
            pl.BlockSpec((_D, _CH), lambda t: (0, jnp.minimum(t, _NCH - 1))),
            pl.BlockSpec((_D, _E), lambda t: (0, 0)),
        ],
        out_specs=(
            pl.BlockSpec((_CH, _DPW), lambda t: (jnp.minimum(t, _NCH - 1), 0)),
            pl.BlockSpec((_NCH, _CH), lambda t: (0, 0)),
            pl.BlockSpec((_NTP, 1), lambda t: (0, 0)),
            pl.BlockSpec((_NTP, 1), lambda t: (0, 0)),
        ),
        out_shape=(
            jax.ShapeDtypeStruct((_B, _DPW), jnp.int32),
            jax.ShapeDtypeStruct((_NCH, _CH), jnp.int32),
            jax.ShapeDtypeStruct((_NTP, 1), jnp.int32),
            jax.ShapeDtypeStruct((_NTP, 1), jnp.int32),
        ),
        scratch_shapes=[
            pltpu.VMEM((_E, 1), jnp.float32),
            pltpu.VMEM((_NCH, _CH), jnp.float32),
            pltpu.VMEM((_NCH, _CH), jnp.int32),
            pltpu.VMEM((1, _E), jnp.float32),
        ],
        compiler_params=pltpu.CompilerParams(
            dimension_semantics=("arbitrary",)),
    )(xt, w_gate)


def _dispatch_body(x_hbm, pos_hbm, out_hbm, idx_v, rows_v, sem):
    wid = lax.axis_index("s") * _NC + lax.axis_index("c")
    base = wid * _BPW
    pltpu.sync_copy(pos_hbm.at[pl.ds(base, _BPW)], idx_v)
    pltpu.sync_copy(x_hbm.at[pl.ds(base, _BPW)], rows_v)
    pltpu.async_copy(rows_v, out_hbm.at[idx_v], sem).wait()


def _dispatch(xg, pos):
    mesh = plsc.VectorSubcoreMesh(core_axis_name="c", subcore_axis_name="s")
    return pl.kernel(
        _dispatch_body,
        out_type=jax.ShapeDtypeStruct((_PMAX, _DPW), jnp.int32),
        mesh=mesh,
        scratch_types=[
            pltpu.VMEM((_BPW,), jnp.int32),
            pltpu.VMEM((_BPW, _DPW), jnp.int32),
            pltpu.SemaphoreType.DMA,
        ],
    )(xg, pos)


def _mlp_body(eot_ref, act_ref, x_ref, w1_ref, b1_ref, w2_ref, b2_ref,
              w3_ref, b3_ref, out_ref):
    t = pl.program_id(0)

    @pl.when(act_ref[t] != 0)
    def _():
        e = eot_ref[t]
        hw = _D // 2
        xw = x_ref[...]
        f_lo = lax.bitcast_convert_type(xw << 16, jnp.float32)
        f_hi = lax.bitcast_convert_type(
            xw & jnp.int32(-65536), jnp.float32)
        g = f_lo[:, hw:hw + 1] + f_hi[:, hw:hw + 1]
        zpad = jnp.zeros((_DPW - hw, _H), jnp.float32)
        wev = jnp.concatenate([w1_ref[e][0:hw, :], zpad], axis=0)
        wod = jnp.concatenate([w1_ref[e][hw:_D, :], zpad], axis=0)
        w3p = jnp.concatenate(
            [w3_ref[e], jnp.zeros((_H, _OP - _O), jnp.float32)], axis=1)
        b3p = jnp.concatenate(
            [b3_ref[e], jnp.zeros((1, _OP - _O), jnp.float32)], axis=1)
        h1 = jnp.maximum(
            jnp.dot(f_lo, wev, preferred_element_type=jnp.float32)
            + jnp.dot(f_hi, wod, preferred_element_type=jnp.float32)
            + b1_ref[e], 0.0)
        h2 = jnp.maximum(
            jnp.dot(h1, w2_ref[e], preferred_element_type=jnp.float32)
            + b2_ref[e], 0.0)
        o = (jnp.dot(h2, w3p, preferred_element_type=jnp.float32)
             + b3p)
        v = jnp.exp(o) * g
        out_ref[...] = jnp.log(jnp.where(v == 0.0, jnp.float32(_EPS), v))


def _grouped_mlp(xs, W1, b1r, W2, b2r, W3, b3r, eot, act):
    grid_spec = pltpu.PrefetchScalarGridSpec(
        num_scalar_prefetch=2,
        grid=(_NT,),
        in_specs=[
            pl.BlockSpec((_T, _DPW), lambda t, eot, act: (t, 0)),
            pl.BlockSpec((_E, _D, _H), lambda t, eot, act: (0, 0, 0)),
            pl.BlockSpec((_E, 1, _H), lambda t, eot, act: (0, 0, 0)),
            pl.BlockSpec((_E, _H, _H), lambda t, eot, act: (0, 0, 0)),
            pl.BlockSpec((_E, 1, _H), lambda t, eot, act: (0, 0, 0)),
            pl.BlockSpec((_E, _H, _O), lambda t, eot, act: (0, 0, 0)),
            pl.BlockSpec((_E, 1, _O), lambda t, eot, act: (0, 0, 0)),
        ],
        out_specs=pl.BlockSpec((_T, _OP), lambda t, eot, act: (t, 0)),
    )
    return pl.pallas_call(
        _mlp_body,
        grid_spec=grid_spec,
        out_shape=jax.ShapeDtypeStruct((_PMAX, _OP), jnp.float32),
        compiler_params=pltpu.CompilerParams(
            dimension_semantics=("arbitrary",)),
    )(eot, act, xs, W1, b1r, W2, b2r, W3, b3r)


def _combine_body(eo_hbm, pos_hbm, out_hbm, idx_v, rows_v, sem):
    wid = lax.axis_index("s") * _NC + lax.axis_index("c")
    base = wid * _BPW
    pltpu.sync_copy(pos_hbm.at[pl.ds(base, _BPW)], idx_v)
    pltpu.async_copy(eo_hbm.at[idx_v], rows_v, sem).wait()
    pltpu.sync_copy(rows_v, out_hbm.at[pl.ds(base, _BPW)])


def _combine(eo, pos):
    mesh = plsc.VectorSubcoreMesh(core_axis_name="c", subcore_axis_name="s")
    return pl.kernel(
        _combine_body,
        out_type=jax.ShapeDtypeStruct((_B, _OP), jnp.float32),
        mesh=mesh,
        scratch_types=[
            pltpu.VMEM((_BPW,), jnp.int32),
            pltpu.VMEM((_BPW, _OP), jnp.float32),
            pltpu.SemaphoreType.DMA,
        ],
    )(eo, pos)


def kernel(x, w_gate, W1, b1, W2, b2, W3, b3):
    xg, pos2, eot2, act2 = _router(x.T, w_gate)
    pos = pos2.reshape(_B)
    xs = _dispatch(xg, pos)
    eo = _grouped_mlp(xs, W1,
                      b1.reshape(_E, 1, _H), W2,
                      b2.reshape(_E, 1, _H), W3, b3.reshape(_E, 1, _O),
                      eot2.reshape(_NTP), act2.reshape(_NTP))
    out_tok = _combine(eo, pos)
    return out_tok[:, :_O]

# --- scband reference (transcript-rebuilt; emitter-appended) ---
"""Pipeline reference for scband-mo-e-64742337020148 (READ-ONLY COPY).

The authoritative reference and input builder live on the scoring server;
editing this copy changes nothing except your own understanding.
"""

import jax, jax.numpy as jnp
import numpy as np

B = 4096
D = 784
H = 512
O = 10
E = 8
K = 1

def setup_inputs(seed: int = 0) -> dict:
    key = jax.random.key(seed)
    ks = jax.random.split(key, 8)
    x = jax.random.normal(ks[0], (B, D), dtype=jnp.float32)
    w_gate = 0.1 * jax.random.uniform(ks[1], (D, E), dtype=jnp.float32)
    W1 = jax.random.normal(ks[2], (E, D, H), dtype=jnp.float32) * (1.0 / np.sqrt(D))
    b1 = jnp.zeros((E, H), dtype=jnp.float32)
    W2 = jax.random.normal(ks[3], (E, H, H), dtype=jnp.float32) * (1.0 / np.sqrt(H))
    b2 = jnp.zeros((E, H), dtype=jnp.float32)
    W3 = jax.random.normal(ks[4], (E, H, O), dtype=jnp.float32) * (1.0 / np.sqrt(H))
    b3 = jnp.zeros((E, O), dtype=jnp.float32)
    return {"x": x, "w_gate": w_gate, "W1": W1, "b1": b1, "W2": W2, "b2": b2, "W3": W3, "b3": b3}

def _moe_forward(x, w_gate, W1, b1, W2, b2, W3, b3):
    # Top-k gating (eval mode: no noise, dropout disabled)
    logits = x @ w_gate
    probs = jax.nn.softmax(logits, axis=1)
    top_logits, top_indices = jax.lax.top_k(probs, K + 1)
    top_k_logits = top_logits[:, :K]
    top_k_indices = top_indices[:, :K]
    top_k_gates = top_k_logits / (jnp.sum(top_k_logits, axis=1, keepdims=True) + 1e-6)
    rows = jnp.arange(x.shape[0])[:, None]
    gates = jnp.zeros_like(probs).at[rows, top_k_indices].set(top_k_gates)  # [B, E]
    gates_t = gates.T  # [E, B]

    # Dense-masked expert evaluation; mathematically identical to
    # SparseDispatcher.dispatch -> per-expert MLP -> combine (exp/gate/index_add/log),
    # since tokens with zero gate contribute exp(out)*0 = 0 to the index_add.
    def step(acc, xs):
        W1e, b1e, W2e, b2e, W3e, b3e, g = xs
        h1 = jax.nn.relu(x @ W1e + b1e)
        h2 = jax.nn.relu(h1 @ W2e + b2e)
        o = h2 @ W3e + b3e
        return acc + jnp.exp(o) * g[:, None], None

    combined, _ = jax.lax.scan(step, jnp.zeros((x.shape[0], O), dtype=jnp.float32), (W1, b1, W2, b2, W3, b3, gates_t))
    eps = jnp.float32(np.finfo(float).eps)
    combined = jnp.where(combined == 0, eps, combined)
    return jnp.log(combined)

def reference(x, w_gate, W1, b1, W2, b2, W3, b3):
    return _moe_forward(x, w_gate, W1, b1, W2, b2, W3, b3)

if __name__ == "__main__":
    import jax
    _d = setup_inputs()
    print(jax.jit(kernel)(*tuple(_d.values())))

</pallas_src>

<mosaic_0001>
#map = affine_map<(d0, d1) -> (0, 0)>
#map1 = affine_map<(d0, d1) -> (0)>
module attributes {stable_mosaic.version = 14 : i64} {
  func.func @_dispatch_body(%arg0: i32, %arg1: i32, %arg2: memref<4096x512xi32, #tpu.memory_space<hbm>>, %arg3: memref<4096xi32, #tpu.memory_space<hbm>>, %arg4: memref<5888x512xi32, #tpu.memory_space<hbm>>, %arg5: memref<128xi32, #tpu.memory_space<vmem>>, %arg6: memref<128x512xi32, #tpu.memory_space<vmem>>, %arg7: memref<!tpu.dma_semaphore, #tpu.memory_space<semaphore_mem>>) attributes {dimension_semantics = [#tpu.dimension_semantics<core_parallel>, #tpu.dimension_semantics<subcore_parallel>], iteration_bounds = array<i64: 2, 16>, scalar_prefetch = 0 : i64, scratch_operands = 3 : i64, tpu.core_type = #tpu.core_type<sc_vector_subcore>, window_params = [{transform_indices = #map}, {transform_indices = #map1}, {transform_indices = #map}]} {
    %mul3A = arith.constant 2 : i32
    %mul3A_0 = arith.muli %arg1, %mul3A : i32
    %add3A = arith.addi %mul3A_0, %arg0 : i32
    %mul3A_1 = arith.constant 128 : i32
    %mul3A_2 = arith.muli %add3A, %mul3A_1 : i32
    "tpu.region"() ({
      %run_scoped3A = tpu.sem_alloc : memref<!tpu.dma_semaphore, #tpu.memory_space<semaphore_mem>>
      %dma_start3A_7 = tpu.memref_slice %arg3[%mul3A_2] : memref<4096xi32, #tpu.memory_space<hbm>> -> memref<128xi32, #tpu.memory_space<hbm>>
      %dma_start3A_8 = tpu.memref_slice %arg3[%mul3A_2] : memref<4096xi32, #tpu.memory_space<hbm>> -> memref<128xi32, #tpu.memory_space<hbm>>
      tpu.enqueue_dma source(%dma_start3A_8 : memref<128xi32, #tpu.memory_space<hbm>>) target(%arg5 : memref<128xi32, #tpu.memory_space<vmem>>) target_semaphore(%run_scoped3A : memref<!tpu.dma_semaphore, #tpu.memory_space<semaphore_mem>>)
      %dma_wait3A_9 = tpu.memref_slice %arg3[%mul3A_2] : memref<4096xi32, #tpu.memory_space<hbm>> -> memref<128xi32, #tpu.memory_space<hbm>>
      %dma_wait3A_10 = tpu.memref_slice %arg3[%mul3A_2] : memref<4096xi32, #tpu.memory_space<hbm>> -> memref<128xi32, #tpu.memory_space<hbm>>
      tpu.wait_dma2 semaphore(%run_scoped3A : memref<!tpu.dma_semaphore, #tpu.memory_space<semaphore_mem>>) src(%dma_wait3A_10 : memref<128xi32, #tpu.memory_space<hbm>>) dst(%arg5 : memref<128xi32, #tpu.memory_space<vmem>>)
      tpu.yield
    }) : () -> ()
    "tpu.region"() ({
      %run_scoped3A = tpu.sem_alloc : memref<!tpu.dma_semaphore, #tpu.memory_space<semaphore_mem>>
      %dma_start3A_7 = arith.constant 0 : i32
      %dma_start3A_8 = tpu.memref_slice %arg2[%mul3A_2, %dma_start3A_7] : memref<4096x512xi32, #tpu.memory_space<hbm>> -> memref<128x512xi32, #tpu.memory_space<hbm>>
      %dma_start3A_9 = arith.constant 0 : i32
      %dma_start3A_10 = tpu.memref_slice %arg2[%mul3A_2, %dma_start3A_9] : memref<4096x512xi32, #tpu.memory_space<hbm>> -> memref<128x512xi32, #tpu.memory_space<hbm>>
      tpu.enqueue_dma source(%dma_start3A_10 : memref<128x512xi32, #tpu.memory_space<hbm>>) target(%arg6 : memref<128x512xi32, #tpu.memory_space<vmem>>) target_semaphore(%run_scoped3A : memref<!tpu.dma_semaphore, #tpu.memory_space<semaphore_mem>>)
      %dma_wait3A_11 = arith.constant 0 : i32
      %dma_wait3A_12 = tpu.memref_slice %arg2[%mul3A_2, %dma_wait3A_11] : memref<4096x512xi32, #tpu.memory_space<hbm>> -> memref<128x512xi32, #tpu.memory_space<hbm>>
      %dma_wait3A_13 = arith.constant 0 : i32
      %dma_wait3A_14 = tpu.memref_slice %arg2[%mul3A_2, %dma_wait3A_13] : memref<4096x512xi32, #tpu.memory_space<hbm>> -> memref<128x512xi32, #tpu.memory_space<hbm>>
      tpu.wait_dma2 semaphore(%run_scoped3A : memref<!tpu.dma_semaphore, #tpu.memory_space<semaphore_mem>>) src(%dma_wait3A_14 : memref<128x512xi32, #tpu.memory_space<hbm>>) dst(%arg6 : memref<128x512xi32, #tpu.memory_space<vmem>>)
      tpu.yield
    }) : () -> ()
    %dma_start3A = arith.constant 0 : i32
    %dma_start3A_3 = arith.constant 0 : i32
    %dma_start3A_4 = tpu.memref_slice %arg4[%dma_start3A, %dma_start3A_3] : memref<5888x512xi32, #tpu.memory_space<hbm>> -> memref<5888x512xi32, #tpu.memory_space<hbm>>
    tpu.enqueue_indirect_dma source(%arg6 : memref<128x512xi32, #tpu.memory_space<vmem>>) target(%dma_start3A_4 : memref<5888x512xi32, #tpu.memory_space<hbm>>) offsets(%arg5 : memref<128xi32, #tpu.memory_space<vmem>>) semaphore(%arg7 : memref<!tpu.dma_semaphore, #tpu.memory_space<semaphore_mem>>)
    %dma_wait3A = arith.constant 0 : i32
    %dma_wait3A_5 = arith.constant 0 : i32
    %dma_wait3A_6 = tpu.memref_slice %arg4[%dma_wait3A, %dma_wait3A_5] : memref<5888x512xi32, #tpu.memory_space<hbm>> -> memref<5888x512xi32, #tpu.memory_space<hbm>>
    tpu.wait_indirect_dma semaphore(%arg7 : memref<!tpu.dma_semaphore, #tpu.memory_space<semaphore_mem>>) src(%arg6 : memref<128x512xi32, #tpu.memory_space<vmem>>) dst(%dma_wait3A_6 : memref<5888x512xi32, #tpu.memory_space<hbm>>)
    return
  }
}

#map = affine_map<(d0, d1) -> (0, 0)>
#map1 = affine_map<(d0, d1) -> (0)>
module attributes {stable_mosaic.version = 14 : i64} {
  func.func @_combine_body(%arg0: i32, %arg1: i32, %arg2: memref<5888x128xf32, #tpu.memory_space<hbm>>, %arg3: memref<4096xi32, #tpu.memory_space<hbm>>, %arg4: memref<4096x128xf32, #tpu.memory_space<hbm>>, %arg5: memref<128xi32, #tpu.memory_space<vmem>>, %arg6: memref<128x128xf32, #tpu.memory_space<vmem>>, %arg7: memref<!tpu.dma_semaphore, #tpu.memory_space<semaphore_mem>>) attributes {dimension_semantics = [#tpu.dimension_semantics<core_parallel>, #tpu.dimension_semantics<subcore_parallel>], iteration_bounds = array<i64: 2, 16>, scalar_prefetch = 0 : i64, scratch_operands = 3 : i64, tpu.core_type = #tpu.core_type<sc_vector_subcore>, window_params = [{transform_indices = #map}, {transform_indices = #map1}, {transform_indices = #map}]} {
    %mul3A = arith.constant 2 : i32
    %mul3A_0 = arith.muli %arg1, %mul3A : i32
    %add3A = arith.addi %mul3A_0, %arg0 : i32
    %mul3A_1 = arith.constant 128 : i32
    %mul3A_2 = arith.muli %add3A, %mul3A_1 : i32
    "tpu.region"() ({
      %run_scoped3A = tpu.sem_alloc : memref<!tpu.dma_semaphore, #tpu.memory_space<semaphore_mem>>
      %dma_start3A_7 = tpu.memref_slice %arg3[%mul3A_2] : memref<4096xi32, #tpu.memory_space<hbm>> -> memref<128xi32, #tpu.memory_space<hbm>>
      %dma_start3A_8 = tpu.memref_slice %arg3[%mul3A_2] : memref<4096xi32, #tpu.memory_space<hbm>> -> memref<128xi32, #tpu.memory_space<hbm>>
      tpu.enqueue_dma source(%dma_start3A_8 : memref<128xi32, #tpu.memory_space<hbm>>) target(%arg5 : memref<128xi32, #tpu.memory_space<vmem>>) target_semaphore(%run_scoped3A : memref<!tpu.dma_semaphore, #tpu.memory_space<semaphore_mem>>)
      %dma_wait3A_9 = tpu.memref_slice %arg3[%mul3A_2] : memref<4096xi32, #tpu.memory_space<hbm>> -> memref<128xi32, #tpu.memory_space<hbm>>
      %dma_wait3A_10 = tpu.memref_slice %arg3[%mul3A_2] : memref<4096xi32, #tpu.memory_space<hbm>> -> memref<128xi32, #tpu.memory_space<hbm>>
      tpu.wait_dma2 semaphore(%run_scoped3A : memref<!tpu.dma_semaphore, #tpu.memory_space<semaphore_mem>>) src(%dma_wait3A_10 : memref<128xi32, #tpu.memory_space<hbm>>) dst(%arg5 : memref<128xi32, #tpu.memory_space<vmem>>)
      tpu.yield
    }) : () -> ()
    %dma_start3A = arith.constant 0 : i32
    %dma_start3A_3 = arith.constant 0 : i32
    %dma_start3A_4 = tpu.memref_slice %arg2[%dma_start3A, %dma_start3A_3] : memref<5888x128xf32, #tpu.memory_space<hbm>> -> memref<5888x128xf32, #tpu.memory_space<hbm>>
    tpu.enqueue_indirect_dma source(%dma_start3A_4 : memref<5888x128xf32, #tpu.memory_space<hbm>>) target(%arg6 : memref<128x128xf32, #tpu.memory_space<vmem>>) offsets(%arg5 : memref<128xi32, #tpu.memory_space<vmem>>) semaphore(%arg7 : memref<!tpu.dma_semaphore, #tpu.memory_space<semaphore_mem>>)
    %dma_wait3A = arith.constant 0 : i32
    %dma_wait3A_5 = arith.constant 0 : i32
    %dma_wait3A_6 = tpu.memref_slice %arg2[%dma_wait3A, %dma_wait3A_5] : memref<5888x128xf32, #tpu.memory_space<hbm>> -> memref<5888x128xf32, #tpu.memory_space<hbm>>
    tpu.wait_indirect_dma semaphore(%arg7 : memref<!tpu.dma_semaphore, #tpu.memory_space<semaphore_mem>>) src(%dma_wait3A_6 : memref<5888x128xf32, #tpu.memory_space<hbm>>) dst(%arg6 : memref<128x128xf32, #tpu.memory_space<vmem>>)
    "tpu.region"() ({
      %run_scoped3A = tpu.sem_alloc : memref<!tpu.dma_semaphore, #tpu.memory_space<semaphore_mem>>
      %dma_start3A_7 = arith.constant 0 : i32
      %dma_start3A_8 = tpu.memref_slice %arg4[%mul3A_2, %dma_start3A_7] : memref<4096x128xf32, #tpu.memory_space<hbm>> -> memref<128x128xf32, #tpu.memory_space<hbm>>
      %dma_start3A_9 = arith.constant 0 : i32
      %dma_start3A_10 = tpu.memref_slice %arg4[%mul3A_2, %dma_start3A_9] : memref<4096x128xf32, #tpu.memory_space<hbm>> -> memref<128x128xf32, #tpu.memory_space<hbm>>
      tpu.enqueue_dma source(%arg6 : memref<128x128xf32, #tpu.memory_space<vmem>>) target(%dma_start3A_10 : memref<128x128xf32, #tpu.memory_space<hbm>>) target_semaphore(%run_scoped3A : memref<!tpu.dma_semaphore, #tpu.memory_space<semaphore_mem>>)
      %dma_wait3A_11 = arith.constant 0 : i32
      %dma_wait3A_12 = tpu.memref_slice %arg4[%mul3A_2, %dma_wait3A_11] : memref<4096x128xf32, #tpu.memory_space<hbm>> -> memref<128x128xf32, #tpu.memory_space<hbm>>
      %dma_wait3A_13 = arith.constant 0 : i32
      %dma_wait3A_14 = tpu.memref_slice %arg4[%mul3A_2, %dma_wait3A_13] : memref<4096x128xf32, #tpu.memory_space<hbm>> -> memref<128x128xf32, #tpu.memory_space<hbm>>
      tpu.wait_dma2 semaphore(%run_scoped3A : memref<!tpu.dma_semaphore, #tpu.memory_space<semaphore_mem>>) src(%arg6 : memref<128x128xf32, #tpu.memory_space<vmem>>) dst(%dma_wait3A_14 : memref<128x128xf32, #tpu.memory_space<hbm>>)
      tpu.yield
    }) : () -> ()
    return
  }
}

module attributes {stable_mosaic.version = 14 : i64} {
  func.func @_mlp_body(%arg0: i32, %arg1: memref<32xi32, #tpu.memory_space<smem>>, %arg2: memref<32xi32, #tpu.memory_space<smem>>, %arg3: memref<256x512xi32, #tpu.memory_space<vmem>>, %arg4: memref<8x784x512xf32, #tpu.memory_space<vmem>>, %arg5: memref<8x1x512xf32, #tpu.memory_space<vmem>>, %arg6: memref<8x512x512xf32, #tpu.memory_space<vmem>>, %arg7: memref<8x1x512xf32, #tpu.memory_space<vmem>>, %arg8: memref<8x512x10xf32, #tpu.memory_space<vmem>>, %arg9: memref<8x1x10xf32, #tpu.memory_space<vmem>>, %arg10: memref<256x128xf32, #tpu.memory_space<vmem>>) attributes {dimension_semantics = [#tpu.dimension_semantics<arbitrary>], iteration_bounds = array<i64: 23>, scalar_prefetch = 2 : i64, scratch_operands = 0 : i64, tpu.core_type = #tpu.core_type<tc>, window_params = [{transform_indices = @transform_0, window_bounds = array<i64: 256, 512>}, {pipeline_mode = #tpu.pipeline_mode<synchronous>, transform_indices = @transform_1, window_bounds = array<i64: 8, 784, 512>}, {pipeline_mode = #tpu.pipeline_mode<synchronous>, transform_indices = @transform_2, window_bounds = array<i64: 8, 1, 512>}, {pipeline_mode = #tpu.pipeline_mode<synchronous>, transform_indices = @transform_3, window_bounds = array<i64: 8, 512, 512>}, {pipeline_mode = #tpu.pipeline_mode<synchronous>, transform_indices = @transform_4, window_bounds = array<i64: 8, 1, 512>}, {pipeline_mode = #tpu.pipeline_mode<synchronous>, transform_indices = @transform_5, window_bounds = array<i64: 8, 512, 10>}, {pipeline_mode = #tpu.pipeline_mode<synchronous>, transform_indices = @transform_6, window_bounds = array<i64: 8, 1, 10>}, {transform_indices = @transform_7, window_bounds = array<i64: 256, 128>}]} {
    %get3A = arith.index_cast %arg0 : i32 to index
    %get3A_0 = memref.load %arg2[%get3A] : memref<32xi32, #tpu.memory_space<smem>>
    %ne3A = arith.constant 0 : i32
    %ne3A_1 = arith.cmpi ne, %get3A_0, %ne3A : i32
    %convert_element_type3A = arith.extui %ne3A_1 : i1 to i32
    %cond3A = arith.constant 0 : i32
    %cond3A_2 = arith.cmpi ne, %convert_element_type3A, %cond3A : i32
    scf.if %cond3A_2 {
      %get3A_3 = arith.index_cast %arg0 : i32 to index
      %get3A_4 = memref.load %arg1[%get3A_3] : memref<32xi32, #tpu.memory_space<smem>>
      %get3A_5 = arith.constant 0 : index
      %get3A_6 = arith.constant 0 : index
      %get3A_7 = vector.load %arg3[%get3A_5, %get3A_6] : memref<256x512xi32, #tpu.memory_space<vmem>>, vector<256x512xi32>
      %shift_left3A = arith.constant 16 : i32
      %shift_left3A_8 = vector.broadcast %shift_left3A : i32 to vector<256x512xi32>
      %shift_left3A_9 = arith.shli %get3A_7, %shift_left3A_8 : vector<256x512xi32>
      %bitcast_convert_type3A = tpu.bitcast %shift_left3A_9 : vector<256x512xi32> -> vector<256x512xf32>
      %and3A = arith.constant -65536 : i32
      %and3A_10 = vector.broadcast %and3A : i32 to vector<256x512xi32>
      %and3A_11 = arith.andi %get3A_7, %and3A_10 : vector<256x512xi32>
      %bitcast_convert_type3A_12 = tpu.bitcast %and3A_11 : vector<256x512xi32> -> vector<256x512xf32>
      %slice3A = vector.extract_strided_slice %bitcast_convert_type3A {offsets = [0, 392], sizes = [256, 1], strides = [1, 1]} : vector<256x512xf32> to vector<256x1xf32>
      %slice3A_13 = vector.extract_strided_slice %bitcast_convert_type3A_12 {offsets = [0, 392], sizes = [256, 1], strides = [1, 1]} : vector<256x512xf32> to vector<256x1xf32>
      %add3A = arith.addf %slice3A, %slice3A_13 : vector<256x1xf32>
      %broadcast_in_dim3A = arith.constant 0.000000e+00 : f32
      %broadcast_in_dim3A_14 = vector.broadcast %broadcast_in_dim3A : f32 to vector<120x512xf32>
      %get3A_15 = arith.index_cast %get3A_4 : i32 to index
      %get3A_16 = arith.constant 0 : index
      %get3A_17 = arith.constant 0 : index
      %get3A_18 = vector.load %arg4[%get3A_15, %get3A_16, %get3A_17] : memref<8x784x512xf32, #tpu.memory_space<vmem>>, vector<1x784x512xf32>
      %get3A_19 = vector.shape_cast %get3A_18 : vector<1x784x512xf32> to vector<784x512xf32>
      %slice3A_20 = vector.extract_strided_slice %get3A_19 {offsets = [0, 0], sizes = [392, 512], strides = [1, 1]} : vector<784x512xf32> to vector<392x512xf32>
      %concatenate3A = tpu.concatenate %slice3A_20, %broadcast_in_dim3A_14 in 0 : vector<392x512xf32>, vector<120x512xf32> -> vector<512x512xf32>
      %get3A_21 = arith.index_cast %get3A_4 : i32 to index
      %get3A_22 = arith.constant 0 : index
      %get3A_23 = arith.constant 0 : index
      %get3A_24 = vector.load %arg4[%get3A_21, %get3A_22, %get3A_23] : memref<8x784x512xf32, #tpu.memory_space<vmem>>, vector<1x784x512xf32>
      %get3A_25 = vector.shape_cast %get3A_24 : vector<1x784x512xf32> to vector<784x512xf32>
      %slice3A_26 = vector.extract_strided_slice %get3A_25 {offsets = [392, 0], sizes = [392, 512], strides = [1, 1]} : vector<784x512xf32> to vector<392x512xf32>
      %concatenate3A_27 = tpu.concatenate %slice3A_26, %broadcast_in_dim3A_14 in 0 : vector<392x512xf32>, vector<120x512xf32> -> vector<512x512xf32>
      %get3A_28 = arith.index_cast %get3A_4 : i32 to index
      %get3A_29 = arith.constant 0 : index
      %get3A_30 = arith.constant 0 : index
      %get3A_31 = vector.load %arg8[%get3A_28, %get3A_29, %get3A_30] : memref<8x512x10xf32, #tpu.memory_space<vmem>>, vector<1x512x10xf32>
      %get3A_32 = vector.shape_cast %get3A_31 : vector<1x512x10xf32> to vector<512x10xf32>
      %broadcast_in_dim3A_33 = arith.constant 0.000000e+00 : f32
      %broadcast_in_dim3A_34 = vector.broadcast %broadcast_in_dim3A_33 : f32 to vector<512x118xf32>
      %concatenate3A_35 = tpu.concatenate %get3A_32, %broadcast_in_dim3A_34 in 1 : vector<512x10xf32>, vector<512x118xf32> -> vector<512x128xf32>
      %get3A_36 = arith.index_cast %get3A_4 : i32 to index
      %get3A_37 = arith.constant 0 : index
      %get3A_38 = arith.constant 0 : index
      %get3A_39 = vector.load %arg9[%get3A_36, %get3A_37, %get3A_38] : memref<8x1x10xf32, #tpu.memory_space<vmem>>, vector<1x1x10xf32>
      %get3A_40 = vector.shape_cast %get3A_39 : vector<1x1x10xf32> to vector<1x10xf32>
      %broadcast_in_dim3A_41 = arith.constant 0.000000e+00 : f32
      %broadcast_in_dim3A_42 = vector.broadcast %broadcast_in_dim3A_41 : f32 to vector<1x118xf32>
      %concatenate3A_43 = tpu.concatenate %get3A_40, %broadcast_in_dim3A_42 in 1 : vector<1x10xf32>, vector<1x118xf32> -> vector<1x128xf32>
      %dot_general3A = arith.constant dense<0.000000e+00> : vector<256x512xf32>
      %dot_general3A_44 = tpu.matmul %bitcast_convert_type3A, %concatenate3A, %dot_general3A {dimension_numbers = #tpu.dot_dimension_numbers<[1], [0], [0], [1], [0, 0, 1, 1], [], []>, transpose_lhs_hint = false} : vector<256x512xf32>, vector<512x512xf32>, vector<256x512xf32> -> vector<256x512xf32>
      %dot_general3A_45 = arith.constant dense<0.000000e+00> : vector<256x512xf32>
      %dot_general3A_46 = tpu.matmul %bitcast_convert_type3A_12, %concatenate3A_27, %dot_general3A_45 {dimension_numbers = #tpu.dot_dimension_numbers<[1], [0], [0], [1], [0, 0, 1, 1], [], []>, transpose_lhs_hint = false} : vector<256x512xf32>, vector<512x512xf32>, vector<256x512xf32> -> vector<256x512xf32>
      %add3A_47 = arith.addf %dot_general3A_44, %dot_general3A_46 : vector<256x512xf32>
      %get3A_48 = arith.index_cast %get3A_4 : i32 to index
      %get3A_49 = arith.constant 0 : index
      %get3A_50 = arith.constant 0 : index
      %get3A_51 = vector.load %arg5[%get3A_48, %get3A_49, %get3A_50] : memref<8x1x512xf32, #tpu.memory_space<vmem>>, vector<1x1x512xf32>
      %get3A_52 = vector.shape_cast %get3A_51 : vector<1x1x512xf32> to vector<1x512xf32>
      %add3A_53 = vector.broadcast %get3A_52 : vector<1x512xf32> to vector<256x512xf32>
      %add3A_54 = arith.addf %add3A_47, %add3A_53 : vector<256x512xf32>
      %max3A = arith.constant 0.000000e+00 : f32
      %max3A_55 = vector.broadcast %max3A : f32 to vector<256x512xf32>
      %max3A_56 = arith.maximumf %add3A_54, %max3A_55 : vector<256x512xf32>
      %get3A_57 = arith.index_cast %get3A_4 : i32 to index
      %get3A_58 = arith.constant 0 : index
      %get3A_59 = arith.constant 0 : index
      %get3A_60 = vector.load %arg6[%get3A_57, %get3A_58, %get3A_59] : memref<8x512x512xf32, #tpu.memory_space<vmem>>, vector<1x512x512xf32>
      %get3A_61 = vector.shape_cast %get3A_60 : vector<1x512x512xf32> to vector<512x512xf32>
      %dot_general3A_62 = arith.constant dense<0.000000e+00> : vector<256x512xf32>
      %dot_general3A_63 = tpu.matmul %max3A_56, %get3A_61, %dot_general3A_62 {dimension_numbers = #tpu.dot_dimension_numbers<[1], [0], [0], [1], [0, 0, 1, 1], [], []>, transpose_lhs_hint = false} : vector<256x512xf32>, vector<512x512xf32>, vector<256x512xf32> -> vector<256x512xf32>
      %get3A_64 = arith.index_cast %get3A_4 : i32 to index
      %get3A_65 = arith.constant 0 : index
      %get3A_66 = arith.constant 0 : index
      %get3A_67 = vector.load %arg7[%get3A_64, %get3A_65, %get3A_66] : memref<8x1x512xf32, #tpu.memory_space<vmem>>, vector<1x1x512xf32>
      %get3A_68 = vector.shape_cast %get3A_67 : vector<1x1x512xf32> to vector<1x512xf32>
      %add3A_69 = vector.broadcast %get3A_68 : vector<1x512xf32> to vector<256x512xf32>
      %add3A_70 = arith.addf %dot_general3A_63, %add3A_69 : vector<256x512xf32>
      %max3A_71 = arith.constant 0.000000e+00 : f32
      %max3A_72 = vector.broadcast %max3A_71 : f32 to vector<256x512xf32>
      %max3A_73 = arith.maximumf %add3A_70, %max3A_72 : vector<256x512xf32>
      %dot_general3A_74 = arith.constant dense<0.000000e+00> : vector<256x128xf32>
      %dot_general3A_75 = tpu.matmul %max3A_73, %concatenate3A_35, %dot_general3A_74 {dimension_numbers = #tpu.dot_dimension_numbers<[1], [0], [0], [1], [0, 0, 1, 1], [], []>, transpose_lhs_hint = false} : vector<256x512xf32>, vector<512x128xf32>, vector<256x128xf32> -> vector<256x128xf32>
      %add3A_76 = vector.broadcast %concatenate3A_43 : vector<1x128xf32> to vector<256x128xf32>
      %add3A_77 = arith.addf %dot_general3A_75, %add3A_76 : vector<256x128xf32>
      %exp3A = math.exp %add3A_77 : vector<256x128xf32>
      %mul3A = vector.broadcast %add3A : vector<256x1xf32> to vector<256x128xf32>
      %mul3A_78 = arith.mulf %exp3A, %mul3A : vector<256x128xf32>
      %eq3A = arith.constant 0.000000e+00 : f32
      %eq3A_79 = vector.broadcast %eq3A : f32 to vector<256x128xf32>
      %eq3A_80 = arith.cmpf oeq, %mul3A_78, %eq3A_79 : vector<256x128xf32>
      %jit3A = arith.constant 2.22044605E-16 : f32
      %broadcast_in_dim3A_81 = vector.broadcast %jit3A : f32 to vector<256x128xf32>
      %select_n3A = arith.select %eq3A_80, %broadcast_in_dim3A_81, %mul3A_78 : vector<256x128xi1>, vector<256x128xf32>
      %log3A = math.log %select_n3A : vector<256x128xf32>
      %swap3A = arith.constant 0 : index
      %swap3A_82 = arith.constant 0 : index
      %swap3A_83 = vector.load %arg10[%swap3A, %swap3A_82] : memref<256x128xf32, #tpu.memory_space<vmem>>, vector<256x128xf32>
      tpu.vector_store %arg10[%swap3A, %swap3A_82], %log3A {strides = array<i32>} : memref<256x128xf32, #tpu.memory_space<vmem>>, vector<256x128xf32>,
    } else {
    }
    return
  }
  func.func @transform_0(%arg0: i32, %arg1: memref<32xi32, #tpu.memory_space<smem>>, %arg2: memref<32xi32, #tpu.memory_space<smem>>) -> (i32, i32) {
    %c0_i32 = arith.constant 0 : i32
    %c0_i32_0 = arith.constant 0 : i32
    return %arg0, %c0_i32 : i32, i32
  }
  func.func @transform_1(%arg0: i32, %arg1: memref<32xi32, #tpu.memory_space<smem>>, %arg2: memref<32xi32, #tpu.memory_space<smem>>) -> (i32, i32, i32) {
    %c0_i32 = arith.constant 0 : i32
    %c0_i32_0 = arith.constant 0 : i32
    %c0_i32_1 = arith.constant 0 : i32
    %c0_i32_2 = arith.constant 0 : i32
    return %c0_i32, %c0_i32_0, %c0_i32_1 : i32, i32, i32
  }
  func.func @transform_2(%arg0: i32, %arg1: memref<32xi32, #tpu.memory_space<smem>>, %arg2: memref<32xi32, #tpu.memory_space<smem>>) -> (i32, i32, i32) {
    %c0_i32 = arith.constant 0 : i32
    %c0_i32_0 = arith.constant 0 : i32
    %c0_i32_1 = arith.constant 0 : i32
    %c0_i32_2 = arith.constant 0 : i32
    return %c0_i32, %c0_i32_0, %c0_i32_1 : i32, i32, i32
  }
  func.func @transform_3(%arg0: i32, %arg1: memref<32xi32, #tpu.memory_space<smem>>, %arg2: memref<32xi32, #tpu.memory_space<smem>>) -> (i32, i32, i32) {
    %c0_i32 = arith.constant 0 : i32
    %c0_i32_0 = arith.constant 0 : i32
    %c0_i32_1 = arith.constant 0 : i32
    %c0_i32_2 = arith.constant 0 : i32
    return %c0_i32, %c0_i32_0, %c0_i32_1 : i32, i32, i32
  }
  func.func @transform_4(%arg0: i32, %arg1: memref<32xi32, #tpu.memory_space<smem>>, %arg2: memref<32xi32, #tpu.memory_space<smem>>) -> (i32, i32, i32) {
    %c0_i32 = arith.constant 0 : i32
    %c0_i32_0 = arith.constant 0 : i32
    %c0_i32_1 = arith.constant 0 : i32
    %c0_i32_2 = arith.constant 0 : i32
    return %c0_i32, %c0_i32_0, %c0_i32_1 : i32, i32, i32
  }
  func.func @transform_5(%arg0: i32, %arg1: memref<32xi32, #tpu.memory_space<smem>>, %arg2: memref<32xi32, #tpu.memory_space<smem>>) -> (i32, i32, i32) {
    %c0_i32 = arith.constant 0 : i32
    %c0_i32_0 = arith.constant 0 : i32
    %c0_i32_1 = arith.constant 0 : i32
    %c0_i32_2 = arith.constant 0 : i32
    return %c0_i32, %c0_i32_0, %c0_i32_1 : i32, i32, i32
  }
  func.func @transform_6(%arg0: i32, %arg1: memref<32xi32, #tpu.memory_space<smem>>, %arg2: memref<32xi32, #tpu.memory_space<smem>>) -> (i32, i32, i32) {
    %c0_i32 = arith.constant 0 : i32
    %c0_i32_0 = arith.constant 0 : i32
    %c0_i32_1 = arith.constant 0 : i32
    %c0_i32_2 = arith.constant 0 : i32
    return %c0_i32, %c0_i32_0, %c0_i32_1 : i32, i32, i32
  }
  func.func @transform_7(%arg0: i32, %arg1: memref<32xi32, #tpu.memory_space<smem>>, %arg2: memref<32xi32, #tpu.memory_space<smem>>) -> (i32, i32) {
    %c0_i32 = arith.constant 0 : i32
    %c0_i32_0 = arith.constant 0 : i32
    return %arg0, %c0_i32 : i32, i32
  }
}

module attributes {stable_mosaic.version = 14 : i64} {
  func.func @_router_body(%arg0: i32, %arg1: memref<784x256xf32, #tpu.memory_space<vmem>>, %arg2: memref<784x8xf32, #tpu.memory_space<vmem>>, %arg3: memref<256x512xi32, #tpu.memory_space<vmem>>, %arg4: memref<16x256xi32, #tpu.memory_space<vmem>>, %arg5: memref<32x1xi32, #tpu.memory_space<vmem>>, %arg6: memref<32x1xi32, #tpu.memory_space<vmem>>, %arg7: memref<8x1xf32, #tpu.memory_space<vmem>>, %arg8: memref<16x256xf32, #tpu.memory_space<vmem>>, %arg9: memref<16x256xi32, #tpu.memory_space<vmem>>, %arg10: memref<1x8xf32, #tpu.memory_space<vmem>>) attributes {dimension_semantics = [#tpu.dimension_semantics<arbitrary>], iteration_bounds = array<i64: 17>, scalar_prefetch = 0 : i64, scratch_operands = 4 : i64, tpu.core_type = #tpu.core_type<tc>, window_params = [{transform_indices = @transform_0, window_bounds = array<i64: 784, 256>}, {pipeline_mode = #tpu.pipeline_mode<synchronous>, transform_indices = @transform_1, window_bounds = array<i64: 784, 8>}, {transform_indices = @transform_2, window_bounds = array<i64: 256, 512>}, {pipeline_mode = #tpu.pipeline_mode<synchronous>, transform_indices = @transform_3, window_bounds = array<i64: 16, 256>}, {pipeline_mode = #tpu.pipeline_mode<synchronous>, transform_indices = @transform_4, window_bounds = array<i64: 32, 1>}, {pipeline_mode = #tpu.pipeline_mode<synchronous>, transform_indices = @transform_5, window_bounds = array<i64: 32, 1>}]} {
    %eq3A = arith.constant 0 : i32
    %eq3A_0 = arith.cmpi eq, %arg0, %eq3A : i32
    %convert_element_type3A = arith.extui %eq3A_0 : i1 to i32
    %cond3A = arith.constant 0 : i32
    %cond3A_1 = arith.cmpi ne, %convert_element_type3A, %cond3A : i32
    scf.if %cond3A_1 {
      %broadcast_in_dim3A = arith.constant 0.000000e+00 : f32
      %broadcast_in_dim3A_16 = vector.broadcast %broadcast_in_dim3A : f32 to vector<8x1xf32>
      %swap3A = arith.constant 0 : index
      %swap3A_17 = arith.constant 0 : index
      %swap3A_18 = vector.load %arg7[%swap3A, %swap3A_17] : memref<8x1xf32, #tpu.memory_space<vmem>>, vector<8x1xf32>
      tpu.vector_store %arg7[%swap3A, %swap3A_17], %broadcast_in_dim3A_16 {strides = array<i32>} : memref<8x1xf32, #tpu.memory_space<vmem>>, vector<8x1xf32>,
    } else {
    }
    %lt3A = arith.constant 16 : i32
    %lt3A_2 = arith.cmpi slt, %arg0, %lt3A : i32
    %convert_element_type3A_3 = arith.extui %lt3A_2 : i1 to i32
    %cond3A_4 = arith.constant 0 : i32
    %cond3A_5 = arith.cmpi ne, %convert_element_type3A_3, %cond3A_4 : i32
    scf.if %cond3A_5 {
      %get3A = arith.constant 0 : index
      %get3A_16 = arith.constant 0 : index
      %get3A_17 = vector.load %arg1[%get3A, %get3A_16] : memref<784x256xf32, #tpu.memory_space<vmem>>, vector<784x256xf32>
      %get3A_18 = arith.constant 0 : index
      %get3A_19 = arith.constant 0 : index
      %get3A_20 = vector.load %arg2[%get3A_18, %get3A_19] : memref<784x8xf32, #tpu.memory_space<vmem>>, vector<784x8xf32>
      %dot_general3A = arith.constant dense<0.000000e+00> : vector<8x256xf32>
      %dot_general3A_21 = tpu.matmul %get3A_20, %get3A_17, %dot_general3A {dimension_numbers = #tpu.dot_dimension_numbers<[0], [0], [1], [1], [0, 1, 1, 1], [], []>, transpose_lhs_hint = false} : vector<784x8xf32>, vector<784x256xf32>, vector<8x256xf32> -> vector<8x256xf32>
      %reduce_max3A = arith.constant dense<0xFF800000> : vector<256xf32>
      %reduce_max3A_22 = vector.multi_reduction <maximumf>, %dot_general3A_21, %reduce_max3A [0] : vector<8x256xf32> to vector<256xf32>
      %broadcast_in_dim3A = vector.shape_cast %reduce_max3A_22 : vector<256xf32> to vector<1x256xf32>
      %sub3A = vector.broadcast %broadcast_in_dim3A : vector<1x256xf32> to vector<8x256xf32>
      %sub3A_23 = arith.subf %dot_general3A_21, %sub3A : vector<8x256xf32>
      %exp3A = math.exp %sub3A_23 : vector<8x256xf32>
      %reduce_sum3A = arith.constant dense<0.000000e+00> : vector<256xf32>
      %reduce_sum3A_24 = vector.multi_reduction <add>, %exp3A, %reduce_sum3A [0] : vector<8x256xf32> to vector<256xf32>
      %broadcast_in_dim3A_25 = vector.shape_cast %reduce_sum3A_24 : vector<256xf32> to vector<1x256xf32>
      %div3A = vector.broadcast %broadcast_in_dim3A_25 : vector<1x256xf32> to vector<8x256xf32>
      %div3A_26 = arith.divf %exp3A, %div3A : vector<8x256xf32>
      %reduce_max3A_27 = arith.constant dense<0xFF800000> : vector<256xf32>
      %reduce_max3A_28 = vector.multi_reduction <maximumf>, %div3A_26, %reduce_max3A_27 [0] : vector<8x256xf32> to vector<256xf32>
      %broadcast_in_dim3A_29 = vector.shape_cast %reduce_max3A_28 : vector<256xf32> to vector<1x256xf32>
      %iota3A = tpu.iota {dimensions = array<i32: 0>} : vector<8x256xi32>
      %eq3A_30 = vector.broadcast %broadcast_in_dim3A_29 : vector<1x256xf32> to vector<8x256xf32>
      %eq3A_31 = arith.cmpf oeq, %div3A_26, %eq3A_30 : vector<8x256xf32>
      %jit3A = arith.constant 8 : i32
      %broadcast_in_dim3A_32 = vector.broadcast %jit3A : i32 to vector<8x256xi32>
      %select_n3A = arith.select %eq3A_31, %iota3A, %broadcast_in_dim3A_32 : vector<8x256xi1>, vector<8x256xi32>
      %reduce_min3A = arith.constant dense<2147483647> : vector<256xi32>
      %reduce_min3A_33 = vector.multi_reduction <minsi>, %select_n3A, %reduce_min3A [0] : vector<8x256xi32> to vector<256xi32>
      %broadcast_in_dim3A_34 = vector.shape_cast %reduce_min3A_33 : vector<256xi32> to vector<1x256xi32>
      %eq3A_35 = vector.broadcast %broadcast_in_dim3A_34 : vector<1x256xi32> to vector<8x256xi32>
      %eq3A_36 = arith.cmpi eq, %iota3A, %eq3A_35 : vector<8x256xi32>
      %convert_element_type3A_37 = arith.extui %eq3A_36 : vector<8x256xi1> to vector<8x256xi32>
      %convert_element_type3A_38 = arith.sitofp %convert_element_type3A_37 : vector<8x256xi32> to vector<8x256xf32>
      %iota3A_39 = tpu.iota {dimensions = array<i32: 0>} : vector<256x256xi32>
      %iota3A_40 = tpu.iota {dimensions = array<i32: 1>} : vector<256x256xi32>
      %le3A = arith.cmpi sle, %iota3A_39, %iota3A_40 : vector<256x256xi32>
      %convert_element_type3A_41 = arith.extui %le3A : vector<256x256xi1> to vector<256x256xi32>
      %convert_element_type3A_42 = arith.sitofp %convert_element_type3A_41 : vector<256x256xi32> to vector<256x256xf32>
      %dot_general3A_43 = arith.constant dense<0.000000e+00> : vector<8x256xf32>
      %dot_general3A_44 = tpu.matmul %convert_element_type3A_38, %convert_element_type3A_42, %dot_general3A_43 {dimension_numbers = #tpu.dot_dimension_numbers<[1], [0], [0], [1], [0, 0, 1, 1], [], []>, transpose_lhs_hint = false} : vector<8x256xf32>, vector<256x256xf32>, vector<8x256xf32> -> vector<8x256xf32>
      %get3A_45 = arith.constant 0 : index
      %get3A_46 = arith.constant 0 : index
      %get3A_47 = vector.load %arg7[%get3A_45, %get3A_46] : memref<8x1xf32, #tpu.memory_space<vmem>>, vector<8x1xf32>
      %add3A = vector.broadcast %get3A_47 : vector<8x1xf32> to vector<8x256xf32>
      %add3A_48 = arith.addf %dot_general3A_44, %add3A : vector<8x256xf32>
      %slice3A = vector.extract_strided_slice %add3A_48 {offsets = [0, 255], sizes = [8, 1], strides = [1, 1]} : vector<8x256xf32> to vector<8x1xf32>
      %swap3A = arith.constant 0 : index
      %swap3A_49 = arith.constant 0 : index
      %swap3A_50 = vector.load %arg7[%swap3A, %swap3A_49] : memref<8x1xf32, #tpu.memory_space<vmem>>, vector<8x1xf32>
      tpu.vector_store %arg7[%swap3A, %swap3A_49], %slice3A {strides = array<i32>} : memref<8x1xf32, #tpu.memory_space<vmem>>, vector<8x1xf32>,
      %mul3A = arith.mulf %add3A_48, %convert_element_type3A_38 : vector<8x256xf32>
      %reduce_sum3A_51 = arith.constant dense<0.000000e+00> : vector<256xf32>
      %reduce_sum3A_52 = vector.multi_reduction <add>, %mul3A, %reduce_sum3A_51 [0] : vector<8x256xf32> to vector<256xf32>
      %broadcast_in_dim3A_53 = vector.shape_cast %reduce_sum3A_52 : vector<256xf32> to vector<1x256xf32>
      %sub3A_54 = arith.constant 1.000000e+00 : f32
      %sub3A_55 = vector.broadcast %sub3A_54 : f32 to vector<1x256xf32>
      %sub3A_56 = arith.subf %broadcast_in_dim3A_53, %sub3A_55 : vector<1x256xf32>
      %swap3A_57 = arith.index_cast %arg0 : i32 to index
      %swap3A_58 = arith.constant 0 : index
      %swap3A_59 = vector.load %arg8[%swap3A_57, %swap3A_58] : memref<16x256xf32, #tpu.memory_space<vmem>>, vector<1x256xf32>
      tpu.vector_store %arg8[%swap3A_57, %swap3A_58], %sub3A_56 {strides = array<i32>} : memref<16x256xf32, #tpu.memory_space<vmem>>, vector<1x256xf32>,
      %swap3A_60 = arith.index_cast %arg0 : i32 to index
      %swap3A_61 = arith.constant 0 : index
      %swap3A_62 = vector.load %arg9[%swap3A_60, %swap3A_61] : memref<16x256xi32, #tpu.memory_space<vmem>>, vector<1x256xi32>
      tpu.vector_store %arg9[%swap3A_60, %swap3A_61], %broadcast_in_dim3A_34 {strides = array<i32>} : memref<16x256xi32, #tpu.memory_space<vmem>>, vector<1x256xi32>,
      %bitcast_convert_type3A = tpu.bitcast %get3A_17 : vector<784x256xf32> -> vector<784x256xi32>
      %slice3A_63 = vector.extract_strided_slice %bitcast_convert_type3A {offsets = [0, 0], sizes = [392, 256], strides = [1, 1]} : vector<784x256xi32> to vector<392x256xi32>
      %add3A_64 = arith.constant 32767 : i32
      %add3A_65 = vector.broadcast %add3A_64 : i32 to vector<392x256xi32>
      %add3A_66 = arith.addi %slice3A_63, %add3A_65 : vector<392x256xi32>
      %shift_right_arithmetic3A = arith.constant 16 : i32
      %shift_right_arithmetic3A_67 = vector.broadcast %shift_right_arithmetic3A : i32 to vector<392x256xi32>
      %shift_right_arithmetic3A_68 = arith.shrsi %slice3A_63, %shift_right_arithmetic3A_67 : vector<392x256xi32>
      %and3A = arith.constant 1 : i32
      %and3A_69 = vector.broadcast %and3A : i32 to vector<392x256xi32>
      %and3A_70 = arith.andi %shift_right_arithmetic3A_68, %and3A_69 : vector<392x256xi32>
      %add3A_71 = arith.addi %add3A_66, %and3A_70 : vector<392x256xi32>
      %and3A_72 = arith.constant -65536 : i32
      %and3A_73 = vector.broadcast %and3A_72 : i32 to vector<392x256xi32>
      %and3A_74 = arith.andi %add3A_71, %and3A_73 : vector<392x256xi32>
      %shift_right_logical3A = arith.constant 16 : i32
      %shift_right_logical3A_75 = vector.broadcast %shift_right_logical3A : i32 to vector<392x256xi32>
      %shift_right_logical3A_76 = arith.shrui %and3A_74, %shift_right_logical3A_75 : vector<392x256xi32>
      %slice3A_77 = vector.extract_strided_slice %bitcast_convert_type3A {offsets = [392, 0], sizes = [392, 256], strides = [1, 1]} : vector<784x256xi32> to vector<392x256xi32>
      %add3A_78 = arith.constant 32767 : i32
      %add3A_79 = vector.broadcast %add3A_78 : i32 to vector<392x256xi32>
      %add3A_80 = arith.addi %slice3A_77, %add3A_79 : vector<392x256xi32>
      %shift_right_arithmetic3A_81 = arith.constant 16 : i32
      %shift_right_arithmetic3A_82 = vector.broadcast %shift_right_arithmetic3A_81 : i32 to vector<392x256xi32>
      %shift_right_arithmetic3A_83 = arith.shrsi %slice3A_77, %shift_right_arithmetic3A_82 : vector<392x256xi32>
      %and3A_84 = arith.constant 1 : i32
      %and3A_85 = vector.broadcast %and3A_84 : i32 to vector<392x256xi32>
      %and3A_86 = arith.andi %shift_right_arithmetic3A_83, %and3A_85 : vector<392x256xi32>
      %add3A_87 = arith.addi %add3A_80, %and3A_86 : vector<392x256xi32>
      %and3A_88 = arith.constant -65536 : i32
      %and3A_89 = vector.broadcast %and3A_88 : i32 to vector<392x256xi32>
      %and3A_90 = arith.andi %add3A_87, %and3A_89 : vector<392x256xi32>
      %or3A = arith.ori %and3A_90, %shift_right_logical3A_76 : vector<392x256xi32>
      %add3A_91 = arith.constant 9.99999997E-7 : f32
      %add3A_92 = vector.broadcast %add3A_91 : f32 to vector<1x256xf32>
      %add3A_93 = arith.addf %broadcast_in_dim3A_29, %add3A_92 : vector<1x256xf32>
      %div3A_94 = arith.divf %broadcast_in_dim3A_29, %add3A_93 : vector<1x256xf32>
      %bitcast_convert_type3A_95 = tpu.bitcast %div3A_94 : vector<1x256xf32> -> vector<1x256xi32>
      %add3A_96 = arith.constant 32767 : i32
      %add3A_97 = vector.broadcast %add3A_96 : i32 to vector<1x256xi32>
      %add3A_98 = arith.addi %bitcast_convert_type3A_95, %add3A_97 : vector<1x256xi32>
      %shift_right_arithmetic3A_99 = arith.constant 16 : i32
      %shift_right_arithmetic3A_100 = vector.broadcast %shift_right_arithmetic3A_99 : i32 to vector<1x256xi32>
      %shift_right_arithmetic3A_101 = arith.shrsi %bitcast_convert_type3A_95, %shift_right_arithmetic3A_100 : vector<1x256xi32>
      %and3A_102 = arith.constant 1 : i32
      %and3A_103 = vector.broadcast %and3A_102 : i32 to vector<1x256xi32>
      %and3A_104 = arith.andi %shift_right_arithmetic3A_101, %and3A_103 : vector<1x256xi32>
      %add3A_105 = arith.addi %add3A_98, %and3A_104 : vector<1x256xi32>
      %and3A_106 = arith.constant -65536 : i32
      %and3A_107 = vector.broadcast %and3A_106 : i32 to vector<1x256xi32>
      %and3A_108 = arith.andi %add3A_105, %and3A_107 : vector<1x256xi32>
      %bitcast_convert_type3A_109 = tpu.bitcast %and3A_108 : vector<1x256xi32> -> vector<1x256xf32>
      %sub3A_110 = arith.subf %div3A_94, %bitcast_convert_type3A_109 : vector<1x256xf32>
      %bitcast_convert_type3A_111 = tpu.bitcast %sub3A_110 : vector<1x256xf32> -> vector<1x256xi32>
      %add3A_112 = arith.constant 32767 : i32
      %add3A_113 = vector.broadcast %add3A_112 : i32 to vector<1x256xi32>
      %add3A_114 = arith.addi %bitcast_convert_type3A_111, %add3A_113 : vector<1x256xi32>
      %shift_right_arithmetic3A_115 = arith.constant 16 : i32
      %shift_right_arithmetic3A_116 = vector.broadcast %shift_right_arithmetic3A_115 : i32 to vector<1x256xi32>
      %shift_right_arithmetic3A_117 = arith.shrsi %bitcast_convert_type3A_111, %shift_right_arithmetic3A_116 : vector<1x256xi32>
      %and3A_118 = arith.constant 1 : i32
      %and3A_119 = vector.broadcast %and3A_118 : i32 to vector<1x256xi32>
      %and3A_120 = arith.andi %shift_right_arithmetic3A_117, %and3A_119 : vector<1x256xi32>
      %add3A_121 = arith.addi %add3A_114, %and3A_120 : vector<1x256xi32>
      %and3A_122 = arith.constant -65536 : i32
      %and3A_123 = vector.broadcast %and3A_122 : i32 to vector<1x256xi32>
      %and3A_124 = arith.andi %add3A_121, %and3A_123 : vector<1x256xi32>
      %shift_right_logical3A_125 = arith.constant 16 : i32
      %shift_right_logical3A_126 = vector.broadcast %shift_right_logical3A_125 : i32 to vector<1x256xi32>
      %shift_right_logical3A_127 = arith.shrui %and3A_108, %shift_right_logical3A_126 : vector<1x256xi32>
      %or3A_128 = arith.ori %and3A_124, %shift_right_logical3A_127 : vector<1x256xi32>
      %broadcast_in_dim3A_129 = arith.constant 0 : i32
      %broadcast_in_dim3A_130 = vector.broadcast %broadcast_in_dim3A_129 : i32 to vector<119x256xi32>
      %concatenate3A = tpu.concatenate %or3A, %or3A_128, %broadcast_in_dim3A_130 in 0 : vector<392x256xi32>, vector<1x256xi32>, vector<119x256xi32> -> vector<512x256xi32>
      %transpose3A = tpu.transpose %concatenate3A, [1, 0] : vector<512x256xi32> -> vector<256x512xi32>
      %swap3A_131 = arith.constant 0 : index
      %swap3A_132 = arith.constant 0 : index
      %swap3A_133 = vector.load %arg3[%swap3A_131, %swap3A_132] : memref<256x512xi32, #tpu.memory_space<vmem>>, vector<256x512xi32>
      tpu.vector_store %arg3[%swap3A_131, %swap3A_132], %transpose3A {strides = array<i32>} : memref<256x512xi32, #tpu.memory_space<vmem>>, vector<256x512xi32>,
    } else {
    }
    %eq3A_6 = arith.constant 15 : i32
    %eq3A_7 = arith.cmpi eq, %arg0, %eq3A_6 : i32
    %convert_element_type3A_8 = arith.extui %eq3A_7 : i1 to i32
    %cond3A_9 = arith.constant 0 : i32
    %cond3A_10 = arith.cmpi ne, %convert_element_type3A_8, %cond3A_9 : i32
    scf.if %cond3A_10 {
      %get3A = arith.constant 0 : index
      %get3A_16 = arith.constant 0 : index
      %get3A_17 = vector.load %arg7[%get3A, %get3A_16] : memref<8x1xf32, #tpu.memory_space<vmem>>, vector<8x1xf32>
      %transpose3A = tpu.transpose %get3A_17, [1, 0] : vector<8x1xf32> -> vector<1x8xf32>
      %convert_element_type3A_18 = arith.fptosi %transpose3A : vector<1x8xf32> to vector<1x8xi32>
      %add3A = arith.constant 255 : i32
      %add3A_19 = vector.broadcast %add3A : i32 to vector<1x8xi32>
      %add3A_20 = arith.addi %convert_element_type3A_18, %add3A_19 : vector<1x8xi32>
      %shift_right_arithmetic3A = arith.constant 8 : i32
      %shift_right_arithmetic3A_21 = vector.broadcast %shift_right_arithmetic3A : i32 to vector<1x8xi32>
      %shift_right_arithmetic3A_22 = arith.shrsi %add3A_20, %shift_right_arithmetic3A_21 : vector<1x8xi32>
      %shift_left3A = arith.constant 8 : i32
      %shift_left3A_23 = vector.broadcast %shift_left3A : i32 to vector<1x8xi32>
      %shift_left3A_24 = arith.shli %shift_right_arithmetic3A_22, %shift_left3A_23 : vector<1x8xi32>
      %iota3A = tpu.iota {dimensions = array<i32: 0>} : vector<8x8xi32>
      %iota3A_25 = tpu.iota {dimensions = array<i32: 1>} : vector<8x8xi32>
      %lt3A_26 = arith.cmpi slt, %iota3A, %iota3A_25 : vector<8x8xi32>
      %convert_element_type3A_27 = arith.extui %lt3A_26 : vector<8x8xi1> to vector<8x8xi32>
      %convert_element_type3A_28 = arith.sitofp %convert_element_type3A_27 : vector<8x8xi32> to vector<8x8xf32>
      %convert_element_type3A_29 = arith.sitofp %shift_left3A_24 : vector<1x8xi32> to vector<1x8xf32>
      %dot_general3A = arith.constant dense<0.000000e+00> : vector<1x8xf32>
      %dot_general3A_30 = tpu.matmul %convert_element_type3A_29, %convert_element_type3A_28, %dot_general3A {dimension_numbers = #tpu.dot_dimension_numbers<[1], [0], [0], [1], [0, 0, 1, 1], [], []>, transpose_lhs_hint = false} : vector<1x8xf32>, vector<8x8xf32>, vector<1x8xf32> -> vector<1x8xf32>
      %swap3A = arith.constant 0 : index
      %swap3A_31 = arith.constant 0 : index
      %swap3A_32 = vector.load %arg10[%swap3A, %swap3A_31] : memref<1x8xf32, #tpu.memory_space<vmem>>, vector<1x8xf32>
      tpu.vector_store %arg10[%swap3A, %swap3A_31], %dot_general3A_30 {strides = array<i32>} : memref<1x8xf32, #tpu.memory_space<vmem>>, vector<1x8xf32>,
      %convert_element_type3A_33 = arith.fptosi %dot_general3A_30 : vector<1x8xf32> to vector<1x8xi32>
      %iota3A_34 = tpu.iota {dimensions = array<i32: 0>} : vector<32x1xi32>
      %mul3A = arith.constant 256 : i32
      %mul3A_35 = vector.broadcast %mul3A : i32 to vector<32x1xi32>
      %mul3A_36 = arith.muli %iota3A_34, %mul3A_35 : vector<32x1xi32>
      %le3A = vector.broadcast %convert_element_type3A_33 : vector<1x8xi32> to vector<32x8xi32>
      %le3A_37 = vector.broadcast %mul3A_36 : vector<32x1xi32> to vector<32x8xi32>
      %le3A_38 = arith.cmpi sle, %le3A, %le3A_37 : vector<32x8xi32>
      %convert_element_type3A_39 = arith.extui %le3A_38 : vector<32x8xi1> to vector<32x8xi32>
      %reduce_sum3A = arith.constant dense<0> : vector<32xi32>
      %reduce_sum3A_40 = vector.multi_reduction <add>, %convert_element_type3A_39, %reduce_sum3A [1] : vector<32x8xi32> to vector<32xi32>
      %broadcast_in_dim3A = vector.shape_cast %reduce_sum3A_40 : vector<32xi32> to vector<32x1xi32>
      %sub3A = arith.constant 1 : i32
      %sub3A_41 = vector.broadcast %sub3A : i32 to vector<32x1xi32>
      %sub3A_42 = arith.subi %broadcast_in_dim3A, %sub3A_41 : vector<32x1xi32>
      %add3A_43 = arith.addi %convert_element_type3A_33, %convert_element_type3A_18 : vector<1x8xi32>
      %iota3A_44 = tpu.iota {dimensions = array<i32: 1>} : vector<32x8xi32>
      %eq3A_45 = vector.broadcast %sub3A_42 : vector<32x1xi32> to vector<32x8xi32>
      %eq3A_46 = arith.cmpi eq, %iota3A_44, %eq3A_45 : vector<32x8xi32>
      %broadcast_in_dim3A_47 = vector.shape_cast %add3A_43 : vector<1x8xi32> to vector<1x8xi32>
      %broadcast_in_dim3A_48 = vector.broadcast %broadcast_in_dim3A_47 : vector<1x8xi32> to vector<32x8xi32>
      %jit3A = arith.constant 0 : i32
      %broadcast_in_dim3A_49 = vector.broadcast %jit3A : i32 to vector<32x8xi32>
      %select_n3A = arith.select %eq3A_46, %broadcast_in_dim3A_48, %broadcast_in_dim3A_49 : vector<32x8xi1>, vector<32x8xi32>
      %reduce_sum3A_50 = arith.constant dense<0> : vector<32xi32>
      %reduce_sum3A_51 = vector.multi_reduction <add>, %select_n3A, %reduce_sum3A_50 [1] : vector<32x8xi32> to vector<32xi32>
      %broadcast_in_dim3A_52 = vector.shape_cast %reduce_sum3A_51 : vector<32xi32> to vector<32x1xi32>
      %swap3A_53 = arith.constant 0 : index
      %swap3A_54 = arith.constant 0 : index
      %swap3A_55 = vector.load %arg5[%swap3A_53, %swap3A_54] : memref<32x1xi32, #tpu.memory_space<vmem>>, vector<32x1xi32>
      tpu.vector_store %arg5[%swap3A_53, %swap3A_54], %sub3A_42 {strides = array<i32>} : memref<32x1xi32, #tpu.memory_space<vmem>>, vector<32x1xi32>,
      %lt3A_56 = arith.cmpi slt, %mul3A_36, %broadcast_in_dim3A_52 : vector<32x1xi32>
      %convert_element_type3A_57 = arith.extui %lt3A_56 : vector<32x1xi1> to vector<32x1xi32>
      %swap3A_58 = arith.constant 0 : index
      %swap3A_59 = arith.constant 0 : index
      %swap3A_60 = vector.load %arg6[%swap3A_58, %swap3A_59] : memref<32x1xi32, #tpu.memory_space<vmem>>, vector<32x1xi32>
      tpu.vector_store %arg6[%swap3A_58, %swap3A_59], %convert_element_type3A_57 {strides = array<i32>} : memref<32x1xi32, #tpu.memory_space<vmem>>, vector<32x1xi32>,
    } else {
    }
    %eq3A_11 = arith.constant 16 : i32
    %eq3A_12 = arith.cmpi eq, %arg0, %eq3A_11 : i32
    %convert_element_type3A_13 = arith.extui %eq3A_12 : i1 to i32
    %cond3A_14 = arith.constant 0 : i32
    %cond3A_15 = arith.cmpi ne, %convert_element_type3A_13, %cond3A_14 : i32
    scf.if %cond3A_15 {
      %get3A = arith.constant 0 : index
      %get3A_16 = arith.constant 0 : index
      %get3A_17 = vector.load %arg9[%get3A, %get3A_16] : memref<16x256xi32, #tpu.memory_space<vmem>>, vector<16x256xi32>
      %get3A_18 = arith.constant 0 : index
      %get3A_19 = arith.constant 0 : index
      %get3A_20 = vector.load %arg10[%get3A_18, %get3A_19] : memref<1x8xf32, #tpu.memory_space<vmem>>, vector<1x8xf32>
      %broadcast_in_dim3A = arith.constant 0.000000e+00 : f32
      %broadcast_in_dim3A_21 = vector.broadcast %broadcast_in_dim3A : f32 to vector<16x256xf32>
      %eq3A_22 = arith.constant 0 : i32
      %eq3A_23 = vector.broadcast %eq3A_22 : i32 to vector<16x256xi32>
      %eq3A_24 = arith.cmpi eq, %get3A_17, %eq3A_23 : vector<16x256xi32>
      %slice3A = vector.extract_strided_slice %get3A_20 {offsets = [0, 0], sizes = [1, 1], strides = [1, 1]} : vector<1x8xf32> to vector<1x1xf32>
      %jit3A = arith.constant 0.000000e+00 : f32
      %broadcast_in_dim3A_25 = vector.shape_cast %slice3A : vector<1x1xf32> to vector<1x1xf32>
      %broadcast_in_dim3A_26 = vector.broadcast %broadcast_in_dim3A_25 : vector<1x1xf32> to vector<16x256xf32>
      %broadcast_in_dim3A_27 = vector.broadcast %jit3A : f32 to vector<16x256xf32>
      %select_n3A = arith.select %eq3A_24, %broadcast_in_dim3A_26, %broadcast_in_dim3A_27 : vector<16x256xi1>, vector<16x256xf32>
      %add3A = arith.addf %broadcast_in_dim3A_21, %select_n3A : vector<16x256xf32>
      %eq3A_28 = arith.constant 1 : i32
      %eq3A_29 = vector.broadcast %eq3A_28 : i32 to vector<16x256xi32>
      %eq3A_30 = arith.cmpi eq, %get3A_17, %eq3A_29 : vector<16x256xi32>
      %slice3A_31 = vector.extract_strided_slice %get3A_20 {offsets = [0, 1], sizes = [1, 1], strides = [1, 1]} : vector<1x8xf32> to vector<1x1xf32>
      %jit3A_32 = arith.constant 0.000000e+00 : f32
      %broadcast_in_dim3A_33 = vector.shape_cast %slice3A_31 : vector<1x1xf32> to vector<1x1xf32>
      %broadcast_in_dim3A_34 = vector.broadcast %broadcast_in_dim3A_33 : vector<1x1xf32> to vector<16x256xf32>
      %broadcast_in_dim3A_35 = vector.broadcast %jit3A_32 : f32 to vector<16x256xf32>
      %select_n3A_36 = arith.select %eq3A_30, %broadcast_in_dim3A_34, %broadcast_in_dim3A_35 : vector<16x256xi1>, vector<16x256xf32>
      %add3A_37 = arith.addf %add3A, %select_n3A_36 : vector<16x256xf32>
      %eq3A_38 = arith.constant 2 : i32
      %eq3A_39 = vector.broadcast %eq3A_38 : i32 to vector<16x256xi32>
      %eq3A_40 = arith.cmpi eq, %get3A_17, %eq3A_39 : vector<16x256xi32>
      %slice3A_41 = vector.extract_strided_slice %get3A_20 {offsets = [0, 2], sizes = [1, 1], strides = [1, 1]} : vector<1x8xf32> to vector<1x1xf32>
      %jit3A_42 = arith.constant 0.000000e+00 : f32
      %broadcast_in_dim3A_43 = vector.shape_cast %slice3A_41 : vector<1x1xf32> to vector<1x1xf32>
      %broadcast_in_dim3A_44 = vector.broadcast %broadcast_in_dim3A_43 : vector<1x1xf32> to vector<16x256xf32>
      %broadcast_in_dim3A_45 = vector.broadcast %jit3A_42 : f32 to vector<16x256xf32>
      %select_n3A_46 = arith.select %eq3A_40, %broadcast_in_dim3A_44, %broadcast_in_dim3A_45 : vector<16x256xi1>, vector<16x256xf32>
      %add3A_47 = arith.addf %add3A_37, %select_n3A_46 : vector<16x256xf32>
      %eq3A_48 = arith.constant 3 : i32
      %eq3A_49 = vector.broadcast %eq3A_48 : i32 to vector<16x256xi32>
      %eq3A_50 = arith.cmpi eq, %get3A_17, %eq3A_49 : vector<16x256xi32>
      %slice3A_51 = vector.extract_strided_slice %get3A_20 {offsets = [0, 3], sizes = [1, 1], strides = [1, 1]} : vector<1x8xf32> to vector<1x1xf32>
      %jit3A_52 = arith.constant 0.000000e+00 : f32
      %broadcast_in_dim3A_53 = vector.shape_cast %slice3A_51 : vector<1x1xf32> to vector<1x1xf32>
      %broadcast_in_dim3A_54 = vector.broadcast %broadcast_in_dim3A_53 : vector<1x1xf32> to vector<16x256xf32>
      %broadcast_in_dim3A_55 = vector.broadcast %jit3A_52 : f32 to vector<16x256xf32>
      %select_n3A_56 = arith.select %eq3A_50, %broadcast_in_dim3A_54, %broadcast_in_dim3A_55 : vector<16x256xi1>, vector<16x256xf32>
      %add3A_57 = arith.addf %add3A_47, %select_n3A_56 : vector<16x256xf32>
      %eq3A_58 = arith.constant 4 : i32
      %eq3A_59 = vector.broadcast %eq3A_58 : i32 to vector<16x256xi32>
      %eq3A_60 = arith.cmpi eq, %get3A_17, %eq3A_59 : vector<16x256xi32>
      %slice3A_61 = vector.extract_strided_slice %get3A_20 {offsets = [0, 4], sizes = [1, 1], strides = [1, 1]} : vector<1x8xf32> to vector<1x1xf32>
      %jit3A_62 = arith.constant 0.000000e+00 : f32
      %broadcast_in_dim3A_63 = vector.shape_cast %slice3A_61 : vector<1x1xf32> to vector<1x1xf32>
      %broadcast_in_dim3A_64 = vector.broadcast %broadcast_in_dim3A_63 : vector<1x1xf32> to vector<16x256xf32>
      %broadcast_in_dim3A_65 = vector.broadcast %jit3A_62 : f32 to vector<16x256xf32>
      %select_n3A_66 = arith.select %eq3A_60, %broadcast_in_dim3A_64, %broadcast_in_dim3A_65 : vector<16x256xi1>, vector<16x256xf32>
      %add3A_67 = arith.addf %add3A_57, %select_n3A_66 : vector<16x256xf32>
      %eq3A_68 = arith.constant 5 : i32
      %eq3A_69 = vector.broadcast %eq3A_68 : i32 to vector<16x256xi32>
      %eq3A_70 = arith.cmpi eq, %get3A_17, %eq3A_69 : vector<16x256xi32>
      %slice3A_71 = vector.extract_strided_slice %get3A_20 {offsets = [0, 5], sizes = [1, 1], strides = [1, 1]} : vector<1x8xf32> to vector<1x1xf32>
      %jit3A_72 = arith.constant 0.000000e+00 : f32
      %broadcast_in_dim3A_73 = vector.shape_cast %slice3A_71 : vector<1x1xf32> to vector<1x1xf32>
      %broadcast_in_dim3A_74 = vector.broadcast %broadcast_in_dim3A_73 : vector<1x1xf32> to vector<16x256xf32>
      %broadcast_in_dim3A_75 = vector.broadcast %jit3A_72 : f32 to vector<16x256xf32>
      %select_n3A_76 = arith.select %eq3A_70, %broadcast_in_dim3A_74, %broadcast_in_dim3A_75 : vector<16x256xi1>, vector<16x256xf32>
      %add3A_77 = arith.addf %add3A_67, %select_n3A_76 : vector<16x256xf32>
      %eq3A_78 = arith.constant 6 : i32
      %eq3A_79 = vector.broadcast %eq3A_78 : i32 to vector<16x256xi32>
      %eq3A_80 = arith.cmpi eq, %get3A_17, %eq3A_79 : vector<16x256xi32>
      %slice3A_81 = vector.extract_strided_slice %get3A_20 {offsets = [0, 6], sizes = [1, 1], strides = [1, 1]} : vector<1x8xf32> to vector<1x1xf32>
      %jit3A_82 = arith.constant 0.000000e+00 : f32
      %broadcast_in_dim3A_83 = vector.shape_cast %slice3A_81 : vector<1x1xf32> to vector<1x1xf32>
      %broadcast_in_dim3A_84 = vector.broadcast %broadcast_in_dim3A_83 : vector<1x1xf32> to vector<16x256xf32>
      %broadcast_in_dim3A_85 = vector.broadcast %jit3A_82 : f32 to vector<16x256xf32>
      %select_n3A_86 = arith.select %eq3A_80, %broadcast_in_dim3A_84, %broadcast_in_dim3A_85 : vector<16x256xi1>, vector<16x256xf32>
      %add3A_87 = arith.addf %add3A_77, %select_n3A_86 : vector<16x256xf32>
      %eq3A_88 = arith.constant 7 : i32
      %eq3A_89 = vector.broadcast %eq3A_88 : i32 to vector<16x256xi32>
      %eq3A_90 = arith.cmpi eq, %get3A_17, %eq3A_89 : vector<16x256xi32>
      %slice3A_91 = vector.extract_strided_slice %get3A_20 {offsets = [0, 7], sizes = [1, 1], strides = [1, 1]} : vector<1x8xf32> to vector<1x1xf32>
      %jit3A_92 = arith.constant 0.000000e+00 : f32
      %broadcast_in_dim3A_93 = vector.shape_cast %slice3A_91 : vector<1x1xf32> to vector<1x1xf32>
      %broadcast_in_dim3A_94 = vector.broadcast %broadcast_in_dim3A_93 : vector<1x1xf32> to vector<16x256xf32>
      %broadcast_in_dim3A_95 = vector.broadcast %jit3A_92 : f32 to vector<16x256xf32>
      %select_n3A_96 = arith.select %eq3A_90, %broadcast_in_dim3A_94, %broadcast_in_dim3A_95 : vector<16x256xi1>, vector<16x256xf32>
      %add3A_97 = arith.addf %add3A_87, %select_n3A_96 : vector<16x256xf32>
      %get3A_98 = arith.constant 0 : index
      %get3A_99 = arith.constant 0 : index
      %get3A_100 = vector.load %arg8[%get3A_98, %get3A_99] : memref<16x256xf32, #tpu.memory_space<vmem>>, vector<16x256xf32>
      %add3A_101 = arith.addf %add3A_97, %get3A_100 : vector<16x256xf32>
      %convert_element_type3A_102 = arith.fptosi %add3A_101 : vector<16x256xf32> to vector<16x256xi32>
      %swap3A = arith.constant 0 : index
      %swap3A_103 = arith.constant 0 : index
      %swap3A_104 = vector.load %arg4[%swap3A, %swap3A_103] : memref<16x256xi32, #tpu.memory_space<vmem>>, vector<16x256xi32>
      tpu.vector_store %arg4[%swap3A, %swap3A_103], %convert_element_type3A_102 {strides = array<i32>} : memref<16x256xi32, #tpu.memory_space<vmem>>, vector<16x256xi32>,
    } else {
    }
    return
  }
  func.func @transform_0(%arg0: i32) -> (i32, i32) {
    %min3A = arith.constant 15 : i32
    %min3A_0 = arith.minsi %arg0, %min3A : i32
    %c0_i32 = arith.constant 0 : i32
    %c0_i32_1 = arith.constant 0 : i32
    return %c0_i32, %min3A_0 : i32, i32
  }
  func.func @transform_1(%arg0: i32) -> (i32, i32) {
    %c0_i32 = arith.constant 0 : i32
    %c0_i32_0 = arith.constant 0 : i32
    %c0_i32_1 = arith.constant 0 : i32
    return %c0_i32, %c0_i32_0 : i32, i32
  }
  func.func @transform_2(%arg0: i32) -> (i32, i32) {
    %min3A = arith.constant 15 : i32
    %min3A_0 = arith.minsi %arg0, %min3A : i32
    %c0_i32 = arith.constant 0 : i32
    %c0_i32_1 = arith.constant 0 : i32
    return %min3A_0, %c0_i32 : i32, i32
  }
  func.func @transform_3(%arg0: i32) -> (i32, i32) {
    %c0_i32 = arith.constant 0 : i32
    %c0_i32_0 = arith.constant 0 : i32
    %c0_i32_1 = arith.constant 0 : i32
    return %c0_i32, %c0_i32_0 : i32, i32
  }
  func.func @transform_4(%arg0: i32) -> (i32, i32) {
    %c0_i32 = arith.constant 0 : i32
    %c0_i32_0 = arith.constant 0 : i32
    %c0_i32_1 = arith.constant 0 : i32
    return %c0_i32, %c0_i32_0 : i32, i32
  }
  func.func @transform_5(%arg0: i32) -> (i32, i32) {
    %c0_i32 = arith.constant 0 : i32
    %c0_i32_0 = arith.constant 0 : i32
    %c0_i32_1 = arith.constant 0 : i32
    return %c0_i32, %c0_i32_0 : i32, i32
  }
}

</mosaic_0001>

<sc_bundles>
// kernel: kernel.6.cloned.1.call-start
scs
__scs_entry_jumppad:
0x0: {  	(pc) =	sbr.rel $0x88, $3  }
0x1: {  	(tag) =	ssettag $0x0;
	lr =	simm.s32 $0x1  }
0x2: {  	[smem:$0x3F99] =	sst lr;
	_ =	strace $0xD0000000  }
0x3: {  	_ = 	snop  }
0x4: {  	_ = 	snop  }
0x5: {  	_ = 	snop  }
0x6: {  	_ = 	snop  }
0x7: {  	_ = 	snop  }
__scs_overlays_trampoline_lowered:
0x8: {  	[smem:$0x3FA8] =	sst s0  }
0x9: {  	[smem:$0x3FA9] =	sst s1  }
0xa: {  	[smem:$0x3FAA] =	sst s2  }
0xb: {  	[smem:$0x3FAB] =	sst s3  }
0xc: {  	[smem:$0x3FAC] =	sst s4  }
0xd: {  	[smem:$0x3FAD] =	sst s5  }
0xe: {  	[smem:$0x3FAE] =	sst s6  }
0xf: {  	[smem:$0x3FAF] =	sst s7  }
0x10: {  	[smem:$0x3FB0] =	sst s8  }
0x11: {  	[smem:$0x3FB1] =	sst s9;
	s0 =	simm.s32 @!p0 $0x0  }
0x12: {  	s1 =	sld [smem:$0x3F97];
	s0 =	simm.s32 @p0 $0x1  }
0x13: {  	[smem:$0x3FB2] =	sst s0;
	s0 =	simm.s32 @!p1 $0x0  }
0x14: {  	s2 =	sld [smem:$0x3F96];
	s0 =	simm.s32 @p1 $0x1  }
0x15: {  	[smem:$0x3FB3] =	sst s0;
	s0 =	simm.s32 @!p2 $0x0  }
0x16: {  	s3 =	sld [smem:$0x3FDB];
	s0 =	simm.s32 @p2 $0x1  }
0x17: {  	s4 =	simm.s32 $0x1BF5;
	[smem:$0x3FB5] =	sst s0  }
0x18: {  	s0 =	sld [smem:$0x3F98];
	_ =	swait.ge [sflag:s4], $0x0  }
0x19: {  	s7 =	sld [smem:$0x3F99]  }
0x1a: {  	s8 =	sadd.s32 $0xFFFFE003, lr  }
0x1b: {  	s9 =	sadd.s32 $0xFFFFFEF7, lr;
	s5 =	simm.s32 $0xFFFFFFFF;
	p2 =	slt.u32 s8, $0xFFFFF086  }
0x1c: {  	p1 =	slt.u32 s9, $0xF7A;
	s5 =	simm.s32 @!p2 $0x0  }
0x1d: {  	s5 =	simm.s32 @p1 $0x1;
	p0 =	seq.s32 s7, s2  }
0x1e: {  	s7 =	smul.u32 @!p0 $0xF7A, s2;
	p2 =	seq.s32 @!p0 s5, $0x0  }
0x1f: {  	s9 =	smul.u32 $0xF7A, s1;
	s8 =	simm.s32 @!p0 $0x1BF5;
	p2 =	por !p2, p0  }
0x20: {  	[sflag:s8] =	ssyncset.s32 @!p0 $0xFFFFF086;
	s6 =	sadd.s32 @!p0 s3, s7;
	s7 =	simm.s32 @!p0 $0x108  }
0x21: {  	s3 =	sadd.s32 s3, s9;
	s6 =	sadd.s32 @!p0 $0x88, s6;
	s7 =	simm.s32 @p2 $0x1082  }
0x22: {  	[simem:s7], [sflag:s8] =	dma.local @!p0 [hbm:s6], $0xF7A  }
0x23: {  	s9 =	sor.u32 $0xD0000000, s2;
	s6 =	simm.s32 $0x108;
	_ =	swait.ge @!p0 [sflag:s8], $0x0  }
0x24: {  	s3 =	sadd.s32 $0x88, s3;
	s6 =	simm.s32 @!p1 $0x1082;
	[sflag:s4] =	ssyncset.s32 $0xFFFFF086  }
0x25: {  	[simem:s6], [sflag:s4] =	dma.local [hbm:s3], $0xF7A  }
0x26: {  	[smem:$0x3F99] =	sst s1;
	(tag) =	ssettag s2;
	_ =	strace s9  }
0x27: {  	s1 =	sld [smem:$0x3FA9]  }
0x28: {  	s2 =	sld [smem:$0x3FAA]  }
0x29: {  	s4 =	sld [smem:$0x3FAC]  }
0x2a: {  	p0 =	seq.s32 s5, $0x0;
	s5 =	sld [smem:$0x3FAD]  }
0x2b: {  	s6 =	sld [smem:$0x3FAE]  }
0x2c: {  	s7 =	sld [smem:$0x3FAF]  }
0x2d: {  	s3 =	simm.s32 $0x108;
	s8 =	sld [smem:$0x3FB0]  }
0x2e: {  	s3 =	simm.s32 @!p0 $0x1082;
	s9 =	sld [smem:$0x3FB1]  }
0x2f: {  	lr =	sadd.s32 s0, s3;
	s0 =	sld [smem:$0x3FA8]  }
0x30: {  	s3 =	sld [smem:$0x3FAB]  }
0x31: {  	[smem:$0x3FB4] =	sst s10  }
0x32: {  	s10 =	sld [smem:$0x3FB2];
	_ =	sdelay $0x3  }
0x33: {  	p0 =	seq.s32 s10, $0x1;
	s10 =	sld [smem:$0x3FB4];
	_ =	sdelay $0x3  }
0x34: {  	[smem:$0x3FB4] =	sst s10  }
0x35: {  	s10 =	sld [smem:$0x3FB3];
	_ =	sdelay $0x3  }
0x36: {  	p1 =	seq.s32 s10, $0x1;
	s10 =	sld [smem:$0x3FB4];
	_ =	sdelay $0x3  }
0x37: {  	[smem:$0x3FB4] =	sst s10  }
0x38: {  	s10 =	sld [smem:$0x3FB5]  }
0x39: {  	_ = 	snop;
	(pc) =	sbr.ind lr, $3  }
0x3a: {  	_ = 	snop  }
0x3b: {  	_ = 	snop  }
0x3c: {  	p2 =	seq.s32 s10, $0x1;
	s10 =	sld [smem:$0x3FB4]  }
0x3d: {  	_ =	shalt  }
0x3e: {  	_ =	shalt  }
0x3f: {  	_ =	shalt  }
0x40: {  	_ =	shalt  }
0x41: {  	_ =	shalt  }
0x42: {  	_ =	shalt  }
0x43: {  	_ =	shalt  }
0x44: {  	_ =	shalt  }
0x45: {  	_ =	shalt  }
0x46: {  	_ =	shalt  }
0x47: {  	_ =	shalt  }
0x48: {  	_ =	shalt  }
0x49: {  	_ =	shalt  }
0x4a: {  	_ =	shalt  }
0x4b: {  	_ =	shalt  }
0x4c: {  	_ =	shalt  }
0x4d: {  	_ =	shalt  }
0x4e: {  	_ =	shalt  }
0x4f: {  	_ =	shalt  }
0x50: {  	_ =	shalt  }
0x51: {  	_ =	shalt  }
0x52: {  	_ =	shalt  }
0x53: {  	_ =	shalt  }
0x54: {  	_ =	shalt  }
0x55: {  	_ =	shalt  }
0x56: {  	_ =	shalt  }
0x57: {  	_ =	shalt  }
0x58: {  	_ =	shalt  }
0x59: {  	_ =	shalt  }
0x5a: {  	_ =	shalt  }
0x5b: {  	_ =	shalt  }
0x5c: {  	_ =	shalt  }
0x5d: {  	_ =	shalt  }
0x5e: {  	_ =	shalt  }
0x5f: {  	_ =	shalt  }
0x60: {  	_ =	shalt  }
0x61: {  	_ =	shalt  }
0x62: {  	_ =	shalt  }
0x63: {  	_ =	shalt  }
0x64: {  	_ =	shalt  }
0x65: {  	_ =	shalt  }
0x66: {  	_ =	shalt  }
0x67: {  	_ =	shalt  }
0x68: {  	_ =	shalt  }
0x69: {  	_ =	shalt  }
0x6a: {  	_ =	shalt  }
0x6b: {  	_ =	shalt  }
0x6c: {  	_ =	shalt  }
0x6d: {  	_ =	shalt  }
0x6e: {  	_ =	shalt  }
0x6f: {  	_ =	shalt  }
0x70: {  	_ =	shalt  }
0x71: {  	_ =	shalt  }
0x72: {  	_ =	shalt  }
0x73: {  	_ =	shalt  }
0x74: {  	_ =	shalt  }
0x75: {  	_ =	shalt  }
0x76: {  	_ =	shalt  }
0x77: {  	_ =	shalt  }
0x78: {  	_ =	shalt  }
0x79: {  	_ =	shalt  }
0x7a: {  	_ =	shalt  }
0x7b: {  	_ =	shalt  }
0x7c: {  	_ =	shalt  }
0x7d: {  	_ =	shalt  }
0x7e: {  	_ =	shalt  }
0x7f: {  	_ =	shalt  }
0x80: {  	_ =	shalt  }
0x81: {  	_ =	shalt  }
0x82: {  	_ =	shalt  }
0x83: {  	_ =	shalt  }
0x84: {  	_ =	shalt  }
0x85: {  	_ =	shalt  }
0x86: {  	_ =	shalt  }
0x87: {  	_ =	shalt  }
.Lfunc_end0:
.L_simem_size_0:
called_computation_lowered:
.L_overlay_start_0:
0x88: {  	s2 =	sld [smem:$0x3FD9]  }
0x89: {  	s3 =	sld [smem:$0x3FFE];
	_ =	sdelay $0x1  }
0x8a: {  	s1 =	srdreg.scid  }
0x8b: {  	s0 =	sand.u32 $0x1, s1  }
0x8c: {  	s17 =	sshll.u32 s0, $0xA;
	s2 =	sadd.s32 s3, s2  }
0x8d: {  	s2 =	sadd.s32 s2, s17  }
0x8e: {  	[smem:$0x3FC0] =	sst s2  }
0x8f: {  	_ = 	snop  }
0x90: {  	s2 =	sld [smem:$0x3FD0];
	(tm) =	ssettm $0x1  }
0x91: {  	s18 =	sld [smem:$0x3FFB];
	_ =	sdelay $0x3  }
0x92: {  	_ =	strace s18  }
0x93: {  	s3 =	sld [smem:$0x3FFC];
	_ =	sdelay $0x3  }
0x94: {  	_ =	strace s3  }
0x95: {  	s3 =	sld [smem:$0x3FFD];
	_ =	sdelay $0x3  }
0x96: {  	_ =	strace s3  }
0x97: {  	_ =	strace $0x8FFFFFFF  }
0x98: {  	s19 =	sld [smem:$0x3FDB];
	_ =	sdelay $0x1  }
0x99: {  	s4 =	simm.s32 $_scs_section_size  }
0x9a: {  	s5 =	simm.s32 $_size__tile_overlayer_lowered;
	s6 =	simm.s32 $_tile_overlayer_lowered  }
0x9b: {  	s22 =	simm.s32 $0x1BFF;
	s21 =	sshll.u32 s6, $0x1;
	s3 =	sadd.s32 s4, s19  }
0x9c: {  	s7 =	simm.s32 $0x0;
	s20 =	sshll.u32 s5, $0x1;
	s5 =	sadd.s32 s21, s3  }
0x9d: {  	[timem:s7], [sflag:s22] =	dma.local [hbm:s5], s20  }
0x9e: {  	_ =	swait.ge [sflag:s22], s20  }
0x9f: {  	s4 =	ssub.s32 $0x0, s20;
	[sflag:s22] =	ssyncset.done $0x0  }
0xa0: {  	[sflag:s22] =	ssyncadd.s32 s4;
	_ =	sdelay $0x1  }
0xa1: {  	s23 =	simm.s32 $0x1B8B  }
0xa2: {  	_ =	swait.ge [sflag:s23], $0x1  }
0xa3: {  	[sflag:s23] =	ssyncset.done $0x0  }
0xa4: {  	s25 =	simm.s32 $0x1B8E;
	s24 =	sld [smem:$0x3FFE];
	[sflag:s23] =	ssyncadd.s32 $0xFFFFFFFF  }
0xa5: {  	s26 =	simm.s32 $execute0_lowered;
	[smem:$0x3FD2] =	sst s25  }
0xa6: {  	s5 =	sshll.u32 s26, $0x1;
	_ =	strace $0x80000046;
	[dreg:$0x1] =	wrdreg $0xFFFFFFFF  }
0xa7: {  	s28 =	simm.s32 $_size_execute0_lowered;
	s3 =	sadd.s32 s3, s5;
	[dreg:$0x0] =	wrdreg $0x0  }
0xa8: {  	s5 =	sshll.u32 s28, $0x1;
	[dreg:$0x2] =	wrdreg s3  }
0xa9: {  	[dreg:$0x3] =	wrdreg s5  }
0xaa: {  	[dreg:$0x4] =	wrdreg $0xC0  }
0xab: {  	_ =	task [dreg:s7], $0x5FFFF  }
0xac: {  	[dreg:$0x1] =	wrdreg $0xFFFFFFFF  }
0xad: {  	[dreg:$0x0] =	wrdreg $0x60  }
0xae: {  	[dreg:$0x2] =	wrdreg s24  }
0xaf: {  	[dreg:$0x3] =	wrdreg s2  }
0xb0: {  	[dreg:$0x4] =	wrdreg $0x9  }
0xb1: {  	_ =	task.clear_ibuf [dreg:s7], $0x5FFFF;
	_ =	strace $0x90000046  }
0xb2: {  	s29 =	simm.s32 $0x9;
	_ =	strace $0x80000048  }
0xb3: {  	_ =	swait.ge [sflag:s29], $0x1  }
0xb4: {  	[sflag:s29] =	ssyncadd.s32 $0xFFFFFFFF  }
0xb5: {  	_ =	strace $0x90000048  }
0xb6: {  	_ =	sfence  }
0xb7: {  	s30 =	sld [smem:$0x0];
	_ =	sdelay $0x2  }
0xb8: {  	s31 =	sshll.u32 s1, $0xD;
	s1 =	sshrl.u32 s1, $0x2  }
0xb9: {  	s3 =	sand.u32 $0x4000, s31;
	s1 =	sadd.s32 s1, s30  }
0xba: {  	s0 =	sor.u32 s3, s0;
	s1 =	sshll.u32 s1, $0x11  }
0xbb: {  	s0 =	sor.u32 s1, s0  }
0xbc: {  	s0 =	sadd.s32 $0x8F2B, s0  }
0xbd: {  	[sflag:s0] =	ssyncadd.remote.s32 $0x1  }
0xbe: {  	_ =	sfence.sel $0xFFFF  }
0xbf: {  	[dreg:$0x0] =	wrdreg $0xFFFFFFFF;
	(pc) =	sbr.abs _section_cstart, $3  }
0xc0: {  	[dreg:$0x1] =	wrdreg $0xFFFFFFFF  }
0xc1: {  	_ =	task.clear_ibuf [dreg:s7], $0x2FFFF;
	_ =	strace $0x9FFFFFFF  }
0xc2: {  	(tm) =	ssettm $0x7FFFFFFF  }
0xc3: {  	_ =	shalt  }
tec
execute0_lowered:
.L_overlay_start_1:
0x0: {  	(tag) =	ssettag $0x1  }
0x1: {  	s1 =	srdreg.scid;
	s4 =	rddreg [dreg:$0x0]  }
0x2: {  	s0 =	stileid.u32;
	s3 =	rddreg [dreg:$0x1];
	s2 =	simm.s32 $0x0  }
0x3: {  	s18 =	simm.s32 $0x880;
	s19 =	simm.s32 $0x1080;
	s20 =	simm.s32 $0x1880  }
0x4: {  	s21 =	simm.s32 $0x2080;
	s23 =	simm.s32 $0x2880;
	s24 =	simm.s32 $0x3080  }
0x5: {  	s25 =	simm.s32 $0x3880;
	s26 =	simm.s32 $0x4080;
	s7 =	simm.s32 $0x80  }
0x6: {  	s9 =	simm.s32 $0x5080;
	s10 =	simm.s32 $0x5880;
	[smem:$0x7FF] =	sst s2  }
0x7: {  	s11 =	simm.s32 $0x6080;
	_ =	strace $0x80000047;
	[dreg:$0x5] =	wrdreg s18  }
0x8: {  	s12 =	simm.s32 $0x6880;
	s13 =	simm.s32 $0x7080;
	[dreg:$0x6] =	wrdreg s19  }
0x9: {  	s14 =	simm.s32 $0x7880;
	s15 =	simm.s32 $0x8080;
	[dreg:$0x7] =	wrdreg s20  }
0xa: {  	s16 =	simm.s32 $0x8880;
	s28 =	simm.s32 $0xE080;
	[dreg:$0x8] =	wrdreg s21  }
0xb: {  	s29 =	simm.s32 $0xE880;
	s30 =	simm.s32 $0xF080;
	[dreg:$0x9] =	wrdreg s23  }
0xc: {  	s31 =	simm.s32 $0xF880;
	s1 =	sand.u32 $0x1, s1;
	[dreg:$0xa] =	wrdreg s24  }
0xd: {  	s5 =	sshll.u32 s0, $0x8;
	s6 =	sshll.u32 s1, $0x7;
	[dreg:$0xb] =	wrdreg s25  }
0xe: {  	s1 =	ssub.s32 $0x2, s1;
	[dreg:$0xc] =	wrdreg s26;
	s18 =	simm.s32 $0x9880  }
0xf: {  	s19 =	simm.s32 $0xA080;
	s20 =	simm.s32 $0xA880;
	s21 =	simm.s32 $0xB080  }
0x10: {  	s23 =	simm.s32 $0xC080;
	s24 =	simm.s32 $0xC880;
	s25 =	simm.s32 $0xD080  }
0x11: {  	s26 =	simm.s32 $0xD880;
	s5 =	sor.u32 s6, s5;
	s22 =	sshrl.u32 s1, $0x1  }
0x12: {  	s6 =	sshll.u32 s5, $0x6;
	s5 =	sshrl.u32 s5, $0x3;
	s1 =	ssub.s32 s1, s22  }
0x13: {  	s22 =	simm.s32 $0xB880;
	s6 =	sadd.s32 s6, s4;
	s3 =	sadd.s32 s3, s5  }
0x14: {  	v2 =	vlaneseq.u32;
	s5 =	smax.u32 s1, $0x1;
	s1 =	simm.s32 $0x1;
	[dreg:$0x3] =	wrdreg s3  }
0x15: {  	vm0 =	vmmov $0xffff;
	v1 =	vshrl.u32 v2, $0x3;
	s17 =	sadd.s32 $0x1600, s6;
	s3 =	sadd.s32 $0x41600, s4;
	s4 =	sadd.s32 $0x41700, s4  }
0x16: {  	v0 =	vand.u32 $0x7, v2;
	v2 =	vor.u32 $0x8, v2;
	v1 =	vmul.u32 $0x8, v1;
	s6 =	simm.s32 $0x2;
	[dreg:$0x4] =	wrdreg s17;
	s17 =	simm.s32 $0x9080  }
.LBB2_1:
0x17: {  	s0 =	rddreg [dreg:$0x3]  }
0x18: {  	[tilespmem:s2], [sflag:$0x2] =	stream.linear.gather [hbm4b:s0+s2], $0x80, $0x38;
	[tilespmem:$0x10080] =	vst v63  }
0x19: {  	_ =	swait.ge [sflag:s6], $0x80  }
0x1a: {  	[sflag:s6] =	ssyncset.done $0x0  }
0x1b: {  	s8 =	rddreg [dreg:$0x4];
	[sflag:s6] =	ssyncadd.s32 $0xFFFFFF80  }
0x1c: {  	[tilespmem:s7], [sflag:$0x2] =	stream.linear.gather [hbm4b:s8+s2], $0x10000, $0x38;
	[tilespmem:$0x10080] =	vst v63  }
0x1d: {  	_ =	swait.ge [sflag:s6], $0x10000  }
0x1e: {  	[sflag:s6] =	ssyncset.done $0x0  }
0x1f: {  	[sflag:s6] =	ssyncadd.s32 $0xFFFF0000  }
0x20: {  	v3 =	vld [tilespmem:$0x0];
	_ =	sdelay $0x4  }
0x21: {  	v4 =	vshll.u32 v3, $0x2  }
0x22: {  	v3 =	vand.u32 $0x7, v3;
	v4 =	vand.u32 $0xFFFFFFE0, v4  }
0x23: {  	v3 =	vor.u32 v3, v4  }
0x24: {  	v4 =	vperm.xlane v3, v0;
	_ =	sdelay $0x1  }
0x25: {  	v4 =	vadd.s32 v1, v4;
	_ =	sdelay $0x1  }
0x26: {  	v3 =	vperm.xlane v3, v2;
	_ =	sdelay $0x1  }
0x27: {  	v3 =	vadd.s32 v1, v3  }
0x28: {  	[hbm4b:s3+s2] =	stream.indirect_vreg.scatter [tilespmem:s7], [sflag:$0x1], $0x80, v4, vm0, $0xb8;
	[tilespmem:$0x10080] =	vst v63  }
0x29: {  	s0 =	rddreg [dreg:$0x5]  }
0x2a: {  	[hbm4b:s4+s2] =	stream.indirect_vreg.scatter [tilespmem:s0], [sflag:$0x1], $0x80, v4, vm0, $0xb8;
	[tilespmem:$0x10080] =	vst v63  }
0x2b: {  	s8 =	rddreg [dreg:$0x6]  }
0x2c: {  	[hbm4b:s3+s2] =	stream.indirect_vreg.scatter [tilespmem:s8], [sflag:$0x1], $0x80, v3, vm0, $0xb8;
	[tilespmem:$0x10080] =	vst v63  }
0x2d: {  	s0 =	rddreg [dreg:$0x7]  }
0x2e: {  	[hbm4b:s4+s2] =	stream.indirect_vreg.scatter [tilespmem:s0], [sflag:$0x1], $0x80, v3, vm0, $0xb8;
	[tilespmem:$0x10080] =	vst v63  }
0x2f: {  	v3 =	vld [tilespmem:$0x10];
	_ =	sdelay $0x4  }
0x30: {  	v57 =	vshll.u32 v3, $0x2  }
0x31: {  	v3 =	vand.u32 $0x7, v3;
	v4 =	vand.u32 $0xFFFFFFE0, v57  }
0x32: {  	v3 =	vor.u32 v3, v4  }
0x33: {  	v4 =	vperm.xlane v3, v0;
	_ =	sdelay $0x1  }
0x34: {  	v4 =	vadd.s32 v1, v4;
	_ =	sdelay $0x1  }
0x35: {  	v3 =	vperm.xlane v3, v2;
	_ =	sdelay $0x1  }
0x36: {  	s0 =	rddreg [dreg:$0x8];
	v3 =	vadd.s32 v1, v3  }
0x37: {  	[hbm4b:s3+s2] =	stream.indirect_vreg.scatter [tilespmem:s0], [sflag:$0x1], $0x80, v4, vm0, $0xb8;
	[tilespmem:$0x10080] =	vst v63  }
0x38: {  	s8 =	rddreg [dreg:$0x9]  }
0x39: {  	[hbm4b:s4+s2] =	stream.indirect_vreg.scatter [tilespmem:s8], [sflag:$0x1], $0x80, v4, vm0, $0xb8;
	[tilespmem:$0x10080] =	vst v63  }
0x3a: {  	s0 =	rddreg [dreg:$0xa]  }
0x3b: {  	[hbm4b:s3+s2] =	stream.indirect_vreg.scatter [tilespmem:s0], [sflag:$0x1], $0x80, v3, vm0, $0xb8;
	[tilespmem:$0x10080] =	vst v63  }
0x3c: {  	s8 =	rddreg [dreg:$0xb]  }
0x3d: {  	[hbm4b:s4+s2] =	stream.indirect_vreg.scatter [tilespmem:s8], [sflag:$0x1], $0x80, v3, vm0, $0xb8;
	[tilespmem:$0x10080] =	vst v63  }
0x3e: {  	v3 =	vld [tilespmem:$0x20];
	_ =	sdelay $0x4  }
0x3f: {  	v58 =	vshll.u32 v3, $0x2  }
0x40: {  	v3 =	vand.u32 $0x7, v3;
	v4 =	vand.u32 $0xFFFFFFE0, v58  }
0x41: {  	v3 =	vor.u32 v3, v4  }
0x42: {  	v4 =	vperm.xlane v3, v0;
	_ =	sdelay $0x1  }
0x43: {  	v4 =	vadd.s32 v1, v4;
	_ =	sdelay $0x1  }
0x44: {  	v3 =	vperm.xlane v3, v2;
	_ =	sdelay $0x1  }
0x45: {  	s8 =	rddreg [dreg:$0xc];
	v3 =	vadd.s32 v1, v3  }
0x46: {  	[hbm4b:s3+s2] =	stream.indirect_vreg.scatter [tilespmem:s8], [sflag:$0x1], $0x80, v4, vm0, $0xb8;
	[tilespmem:$0x10080] =	vst v63  }
0x47: {  	s8 =	simm.s32 $0x4880  }
0x48: {  	[hbm4b:s4+s2] =	stream.indirect_vreg.scatter [tilespmem:s8], [sflag:$0x1], $0x80, v4, vm0, $0xb8;
	[tilespmem:$0x10080] =	vst v63  }
0x49: {  	_ = 	snop  }
0x4a: {  	[hbm4b:s3+s2] =	stream.indirect_vreg.scatter [tilespmem:s9], [sflag:$0x1], $0x80, v3, vm0, $0xb8;
	[tilespmem:$0x10080] =	vst v63  }
0x4b: {  	_ = 	snop  }
0x4c: {  	[hbm4b:s4+s2] =	stream.indirect_vreg.scatter [tilespmem:s10], [sflag:$0x1], $0x80, v3, vm0, $0xb8;
	[tilespmem:$0x10080] =	vst v63  }
0x4d: {  	v3 =	vld [tilespmem:$0x30];
	_ =	sdelay $0x4  }
0x4e: {  	v59 =	vshll.u32 v3, $0x2  }
0x4f: {  	v3 =	vand.u32 $0x7, v3;
	v4 =	vand.u32 $0xFFFFFFE0, v59  }
0x50: {  	v3 =	vor.u32 v3, v4  }
0x51: {  	v4 =	vperm.xlane v3, v0;
	_ =	sdelay $0x1  }
0x52: {  	v4 =	vadd.s32 v1, v4;
	_ =	sdelay $0x1  }
0x53: {  	v3 =	vperm.xlane v3, v2;
	_ =	sdelay $0x1  }
0x54: {  	v3 =	vadd.s32 v1, v3  }
0x55: {  	[hbm4b:s3+s2] =	stream.indirect_vreg.scatter [tilespmem:s11], [sflag:$0x1], $0x80, v4, vm0, $0xb8;
	[tilespmem:$0x10080] =	vst v63  }
0x56: {  	_ = 	snop  }
0x57: {  	[hbm4b:s4+s2] =	stream.indirect_vreg.scatter [tilespmem:s12], [sflag:$0x1], $0x80, v4, vm0, $0xb8;
	[tilespmem:$0x10080] =	vst v63  }
0x58: {  	_ = 	snop  }
0x59: {  	[hbm4b:s3+s2] =	stream.indirect_vreg.scatter [tilespmem:s13], [sflag:$0x1], $0x80, v3, vm0, $0xb8;
	[tilespmem:$0x10080] =	vst v63  }
0x5a: {  	_ = 	snop  }
0x5b: {  	[hbm4b:s4+s2] =	stream.indirect_vreg.scatter [tilespmem:s14], [sflag:$0x1], $0x80, v3, vm0, $0xb8;
	[tilespmem:$0x10080] =	vst v63  }
0x5c: {  	v3 =	vld [tilespmem:$0x40];
	_ =	sdelay $0x4  }
0x5d: {  	v60 =	vshll.u32 v3, $0x2  }
0x5e: {  	v3 =	vand.u32 $0x7, v3;
	v4 =	vand.u32 $0xFFFFFFE0, v60  }
0x5f: {  	v3 =	vor.u32 v3, v4  }
0x60: {  	v4 =	vperm.xlane v3, v0;
	_ =	sdelay $0x1  }
0x61: {  	v4 =	vadd.s32 v1, v4;
	_ =	sdelay $0x1  }
0x62: {  	v3 =	vperm.xlane v3, v2;
	_ =	sdelay $0x1  }
0x63: {  	v3 =	vadd.s32 v1, v3  }
0x64: {  	[hbm4b:s3+s2] =	stream.indirect_vreg.scatter [tilespmem:s15], [sflag:$0x1], $0x80, v4, vm0, $0xb8;
	[tilespmem:$0x10080] =	vst v63  }
0x65: {  	_ = 	snop  }
0x66: {  	[hbm4b:s4+s2] =	stream.indirect_vreg.scatter [tilespmem:s16], [sflag:$0x1], $0x80, v4, vm0, $0xb8;
	[tilespmem:$0x10080] =	vst v63  }
0x67: {  	_ = 	snop  }
0x68: {  	[hbm4b:s3+s2] =	stream.indirect_vreg.scatter [tilespmem:s17], [sflag:$0x1], $0x80, v3, vm0, $0xb8;
	[tilespmem:$0x10080] =	vst v63  }
0x69: {  	_ = 	snop  }
0x6a: {  	[hbm4b:s4+s2] =	stream.indirect_vreg.scatter [tilespmem:s18], [sflag:$0x1], $0x80, v3, vm0, $0xb8;
	[tilespmem:$0x10080] =	vst v63  }
0x6b: {  	v3 =	vld [tilespmem:$0x50];
	_ =	sdelay $0x4  }
0x6c: {  	v61 =	vshll.u32 v3, $0x2  }
0x6d: {  	v3 =	vand.u32 $0x7, v3;
	v4 =	vand.u32 $0xFFFFFFE0, v61  }
0x6e: {  	v3 =	vor.u32 v3, v4  }
0x6f: {  	v4 =	vperm.xlane v3, v0;
	_ =	sdelay $0x1  }
0x70: {  	v4 =	vadd.s32 v1, v4;
	_ =	sdelay $0x1  }
0x71: {  	v3 =	vperm.xlane v3, v2;
	_ =	sdelay $0x1  }
0x72: {  	v3 =	vadd.s32 v1, v3  }
0x73: {  	[hbm4b:s3+s2] =	stream.indirect_vreg.scatter [tilespmem:s19], [sflag:$0x1], $0x80, v4, vm0, $0xb8;
	[tilespmem:$0x10080] =	vst v63  }
0x74: {  	_ = 	snop  }
0x75: {  	[hbm4b:s4+s2] =	stream.indirect_vreg.scatter [tilespmem:s20], [sflag:$0x1], $0x80, v4, vm0, $0xb8;
	[tilespmem:$0x10080] =	vst v63  }
0x76: {  	_ = 	snop  }
0x77: {  	[hbm4b:s3+s2] =	stream.indirect_vreg.scatter [tilespmem:s21], [sflag:$0x1], $0x80, v3, vm0, $0xb8;
	[tilespmem:$0x10080] =	vst v63  }
0x78: {  	_ = 	snop  }
0x79: {  	[hbm4b:s4+s2] =	stream.indirect_vreg.scatter [tilespmem:s22], [sflag:$0x1], $0x80, v3, vm0, $0xb8;
	[tilespmem:$0x10080] =	vst v63  }
0x7a: {  	v3 =	vld [tilespmem:$0x60];
	_ =	sdelay $0x4  }
0x7b: {  	v62 =	vshll.u32 v3, $0x2  }
0x7c: {  	v3 =	vand.u32 $0x7, v3;
	v4 =	vand.u32 $0xFFFFFFE0, v62  }
0x7d: {  	v3 =	vor.u32 v3, v4  }
0x7e: {  	v4 =	vperm.xlane v3, v0;
	_ =	sdelay $0x1  }
0x7f: {  	v4 =	vadd.s32 v1, v4;
	_ =	sdelay $0x1  }
0x80: {  	v3 =	vperm.xlane v3, v2;
	_ =	sdelay $0x1  }
0x81: {  	v3 =	vadd.s32 v1, v3  }
0x82: {  	[hbm4b:s3+s2] =	stream.indirect_vreg.scatter [tilespmem:s23], [sflag:$0x1], $0x80, v4, vm0, $0xb8;
	[tilespmem:$0x10080] =	vst v63  }
0x83: {  	_ = 	snop  }
0x84: {  	[hbm4b:s4+s2] =	stream.indirect_vreg.scatter [tilespmem:s24], [sflag:$0x1], $0x80, v4, vm0, $0xb8;
	[tilespmem:$0x10080] =	vst v63  }
0x85: {  	_ = 	snop  }
0x86: {  	[hbm4b:s3+s2] =	stream.indirect_vreg.scatter [tilespmem:s25], [sflag:$0x1], $0x80, v3, vm0, $0xb8;
	[tilespmem:$0x10080] =	vst v63  }
0x87: {  	_ = 	snop  }
0x88: {  	[hbm4b:s4+s2] =	stream.indirect_vreg.scatter [tilespmem:s26], [sflag:$0x1], $0x80, v3, vm0, $0xb8;
	[tilespmem:$0x10080] =	vst v63  }
0x89: {  	v3 =	vld [tilespmem:$0x70];
	_ =	sdelay $0x4  }
0x8a: {  	v63 =	vshll.u32 v3, $0x2  }
0x8b: {  	v3 =	vand.u32 $0x7, v3;
	v4 =	vand.u32 $0xFFFFFFE0, v63  }
0x8c: {  	v3 =	vor.u32 v3, v4  }
0x8d: {  	v4 =	vperm.xlane v3, v0;
	_ =	sdelay $0x1  }
0x8e: {  	v4 =	vadd.s32 v1, v4;
	_ =	sdelay $0x1  }
0x8f: {  	v3 =	vperm.xlane v3, v2;
	_ =	sdelay $0x1  }
0x90: {  	v3 =	vadd.s32 v1, v3  }
0x91: {  	[hbm4b:s3+s2] =	stream.indirect_vreg.scatter [tilespmem:s28], [sflag:$0x1], $0x80, v4, vm0, $0xb8;
	[tilespmem:$0x10080] =	vst v63  }
0x92: {  	_ = 	snop  }
0x93: {  	[hbm4b:s4+s2] =	stream.indirect_vreg.scatter [tilespmem:s29], [sflag:$0x1], $0x80, v4, vm0, $0xb8;
	[tilespmem:$0x10080] =	vst v63  }
0x94: {  	p0 =	sne.s32 s5, $0x1  }
0x95: {  	[hbm4b:s3+s2] =	stream.indirect_vreg.scatter [tilespmem:s30], [sflag:$0x1], $0x80, v3, vm0, $0xb8;
	[tilespmem:$0x10080] =	vst v63  }
.Ltmp0:
0x96: {  	_ = 	snop;
	(pc) =	sbr.rel @p0 .LBB2_1-.Ltmp0, $4  }
0x97: {  	[hbm4b:s4+s2] =	stream.indirect_vreg.scatter [tilespmem:s31], [sflag:$0x1], $0x80, v3, vm0, $0xb8;
	[tilespmem:$0x10080] =	vst v63  }
0x98: {  	_ =	swait.ge [sflag:s1], $0x10000  }
0x99: {  	[sflag:s1] =	ssyncset.done $0x0  }
0x9a: {  	s5 =	sadd.s32 $0xFFFFFFFF, s5;
	[sflag:s1] =	ssyncadd.s32 $0xFFFF0000  }
0x9b: {  	_ =	sfence.sel $0x180000  }
0x9c: {  	[bflag:$0x0] =	sbarrier.arrive $0xFFFF  }
0x9d: {  	_ =	strace $0x90000047  }
0x9e: {  	s0 =	stileid.u32;
	[bflag:$0x2] =	sbarrier.arrive $0xFFFF  }
0x9f: {  	p0 =	sne.s32 s0, $0x0;
	s0 =	rddreg [dreg:$0x2]  }
0xa0: {  	s0 =	sadd.s32 @!p0 $0x100000, s0  }
0xa1: {  	[sflag:s0] =	ssyncadd.tile.s32 @!p0 $0x1;
	_ =	shalt  }
.Lfunc_end2:
_tile_overlayer_lowered:
.L_overlay_start_2:
0xa2: {  	(tag) =	ssettag $0x2  }
0xa3: {  	s0 =	rddreg [dreg:$0x0];
	s2 =	stileid.u32  }
0xa4: {  	s1 =	rddreg [dreg:$0x1];
	p0 =	sne.s32 s2, $0x0  }
0xa5: {  	s3 =	rddreg [dreg:$0x2];
	[bflag:$0x3] =	sbarrier.arrive $0xFFFF;
	s2 =	simm.s32 @!p0 $0x1C02  }
0xa6: {  	[timem:s3], [sflag:s2] =	dma.local @!p0 [hbm:s0], s1  }
0xa7: {  	s0 =	simm.s32 @!p0 $0x2  }
0xa8: {  	_ =	swait.ge @!p0 [sflag:s0], s1  }
0xa9: {  	s1 =	ssub.s32 @!p0 $0x0, s1;
	[sflag:s0] =	ssyncset.done @!p0 $0x0  }
0xaa: {  	[sflag:s0] =	ssyncadd.s32 @!p0 s1  }
0xab: {  	[bflag:$0x3] =	sbarrier.arrive $0xFFFF  }
0xac: {  	_ =	shalt  }

// kernel: kernel.9.cloned.1.call-start
scs
__scs_entry_jumppad:
0x0: {  	(pc) =	sbr.rel $0x88, $3  }
0x1: {  	(tag) =	ssettag $0x0;
	lr =	simm.s32 $0x1  }
0x2: {  	[smem:$0x3F99] =	sst lr;
	_ =	strace $0xD0000000  }
0x3: {  	_ = 	snop  }
0x4: {  	_ = 	snop  }
0x5: {  	_ = 	snop  }
0x6: {  	_ = 	snop  }
0x7: {  	_ = 	snop  }
__scs_overlays_trampoline_lowered:
0x8: {  	[smem:$0x3FA8] =	sst s0  }
0x9: {  	[smem:$0x3FA9] =	sst s1  }
0xa: {  	[smem:$0x3FAA] =	sst s2  }
0xb: {  	[smem:$0x3FAB] =	sst s3  }
0xc: {  	[smem:$0x3FAC] =	sst s4  }
0xd: {  	[smem:$0x3FAD] =	sst s5  }
0xe: {  	[smem:$0x3FAE] =	sst s6  }
0xf: {  	[smem:$0x3FAF] =	sst s7  }
0x10: {  	[smem:$0x3FB0] =	sst s8  }
0x11: {  	[smem:$0x3FB1] =	sst s9;
	s0 =	simm.s32 @!p0 $0x0  }
0x12: {  	s1 =	sld [smem:$0x3F97];
	s0 =	simm.s32 @p0 $0x1  }
0x13: {  	[smem:$0x3FB2] =	sst s0;
	s0 =	simm.s32 @!p1 $0x0  }
0x14: {  	s2 =	sld [smem:$0x3F96];
	s0 =	simm.s32 @p1 $0x1  }
0x15: {  	[smem:$0x3FB3] =	sst s0;
	s0 =	simm.s32 @!p2 $0x0  }
0x16: {  	s3 =	sld [smem:$0x3FDB];
	s0 =	simm.s32 @p2 $0x1  }
0x17: {  	s4 =	simm.s32 $0x1BF5;
	[smem:$0x3FB5] =	sst s0  }
0x18: {  	s0 =	sld [smem:$0x3F98];
	_ =	swait.ge [sflag:s4], $0x0  }
0x19: {  	s7 =	sld [smem:$0x3F99]  }
0x1a: {  	s8 =	sadd.s32 $0xFFFFE003, lr  }
0x1b: {  	s9 =	sadd.s32 $0xFFFFFEF7, lr;
	s5 =	simm.s32 $0xFFFFFFFF;
	p2 =	slt.u32 s8, $0xFFFFF086  }
0x1c: {  	p1 =	slt.u32 s9, $0xF7A;
	s5 =	simm.s32 @!p2 $0x0  }
0x1d: {  	s5 =	simm.s32 @p1 $0x1;
	p0 =	seq.s32 s7, s2  }
0x1e: {  	s7 =	smul.u32 @!p0 $0xF7A, s2;
	p2 =	seq.s32 @!p0 s5, $0x0  }
0x1f: {  	s9 =	smul.u32 $0xF7A, s1;
	s8 =	simm.s32 @!p0 $0x1BF5;
	p2 =	por !p2, p0  }
0x20: {  	[sflag:s8] =	ssyncset.s32 @!p0 $0xFFFFF086;
	s6 =	sadd.s32 @!p0 s3, s7;
	s7 =	simm.s32 @!p0 $0x108  }
0x21: {  	s3 =	sadd.s32 s3, s9;
	s6 =	sadd.s32 @!p0 $0x88, s6;
	s7 =	simm.s32 @p2 $0x1082  }
0x22: {  	[simem:s7], [sflag:s8] =	dma.local @!p0 [hbm:s6], $0xF7A  }
0x23: {  	s9 =	sor.u32 $0xD0000000, s2;
	s6 =	simm.s32 $0x108;
	_ =	swait.ge @!p0 [sflag:s8], $0x0  }
0x24: {  	s3 =	sadd.s32 $0x88, s3;
	s6 =	simm.s32 @!p1 $0x1082;
	[sflag:s4] =	ssyncset.s32 $0xFFFFF086  }
0x25: {  	[simem:s6], [sflag:s4] =	dma.local [hbm:s3], $0xF7A  }
0x26: {  	[smem:$0x3F99] =	sst s1;
	(tag) =	ssettag s2;
	_ =	strace s9  }
0x27: {  	s1 =	sld [smem:$0x3FA9]  }
0x28: {  	s2 =	sld [smem:$0x3FAA]  }
0x29: {  	s4 =	sld [smem:$0x3FAC]  }
0x2a: {  	p0 =	seq.s32 s5, $0x0;
	s5 =	sld [smem:$0x3FAD]  }
0x2b: {  	s6 =	sld [smem:$0x3FAE]  }
0x2c: {  	s7 =	sld [smem:$0x3FAF]  }
0x2d: {  	s3 =	simm.s32 $0x108;
	s8 =	sld [smem:$0x3FB0]  }
0x2e: {  	s3 =	simm.s32 @!p0 $0x1082;
	s9 =	sld [smem:$0x3FB1]  }
0x2f: {  	lr =	sadd.s32 s0, s3;
	s0 =	sld [smem:$0x3FA8]  }
0x30: {  	s3 =	sld [smem:$0x3FAB]  }
0x31: {  	[smem:$0x3FB4] =	sst s10  }
0x32: {  	s10 =	sld [smem:$0x3FB2];
	_ =	sdelay $0x3  }
0x33: {  	p0 =	seq.s32 s10, $0x1;
	s10 =	sld [smem:$0x3FB4];
	_ =	sdelay $0x3  }
0x34: {  	[smem:$0x3FB4] =	sst s10  }
0x35: {  	s10 =	sld [smem:$0x3FB3];
	_ =	sdelay $0x3  }
0x36: {  	p1 =	seq.s32 s10, $0x1;
	s10 =	sld [smem:$0x3FB4];
	_ =	sdelay $0x3  }
0x37: {  	[smem:$0x3FB4] =	sst s10  }
0x38: {  	s10 =	sld [smem:$0x3FB5]  }
0x39: {  	_ = 	snop;
	(pc) =	sbr.ind lr, $3  }
0x3a: {  	_ = 	snop  }
0x3b: {  	_ = 	snop  }
0x3c: {  	p2 =	seq.s32 s10, $0x1;
	s10 =	sld [smem:$0x3FB4]  }
0x3d: {  	_ =	shalt  }
0x3e: {  	_ =	shalt  }
0x3f: {  	_ =	shalt  }
0x40: {  	_ =	shalt  }
0x41: {  	_ =	shalt  }
0x42: {  	_ =	shalt  }
0x43: {  	_ =	shalt  }
0x44: {  	_ =	shalt  }
0x45: {  	_ =	shalt  }
0x46: {  	_ =	shalt  }
0x47: {  	_ =	shalt  }
0x48: {  	_ =	shalt  }
0x49: {  	_ =	shalt  }
0x4a: {  	_ =	shalt  }
0x4b: {  	_ =	shalt  }
0x4c: {  	_ =	shalt  }
0x4d: {  	_ =	shalt  }
0x4e: {  	_ =	shalt  }
0x4f: {  	_ =	shalt  }
0x50: {  	_ =	shalt  }
0x51: {  	_ =	shalt  }
0x52: {  	_ =	shalt  }
0x53: {  	_ =	shalt  }
0x54: {  	_ =	shalt  }
0x55: {  	_ =	shalt  }
0x56: {  	_ =	shalt  }
0x57: {  	_ =	shalt  }
0x58: {  	_ =	shalt  }
0x59: {  	_ =	shalt  }
0x5a: {  	_ =	shalt  }
0x5b: {  	_ =	shalt  }
0x5c: {  	_ =	shalt  }
0x5d: {  	_ =	shalt  }
0x5e: {  	_ =	shalt  }
0x5f: {  	_ =	shalt  }
0x60: {  	_ =	shalt  }
0x61: {  	_ =	shalt  }
0x62: {  	_ =	shalt  }
0x63: {  	_ =	shalt  }
0x64: {  	_ =	shalt  }
0x65: {  	_ =	shalt  }
0x66: {  	_ =	shalt  }
0x67: {  	_ =	shalt  }
0x68: {  	_ =	shalt  }
0x69: {  	_ =	shalt  }
0x6a: {  	_ =	shalt  }
0x6b: {  	_ =	shalt  }
0x6c: {  	_ =	shalt  }
0x6d: {  	_ =	shalt  }
0x6e: {  	_ =	shalt  }
0x6f: {  	_ =	shalt  }
0x70: {  	_ =	shalt  }
0x71: {  	_ =	shalt  }
0x72: {  	_ =	shalt  }
0x73: {  	_ =	shalt  }
0x74: {  	_ =	shalt  }
0x75: {  	_ =	shalt  }
0x76: {  	_ =	shalt  }
0x77: {  	_ =	shalt  }
0x78: {  	_ =	shalt  }
0x79: {  	_ =	shalt  }
0x7a: {  	_ =	shalt  }
0x7b: {  	_ =	shalt  }
0x7c: {  	_ =	shalt  }
0x7d: {  	_ =	shalt  }
0x7e: {  	_ =	shalt  }
0x7f: {  	_ =	shalt  }
0x80: {  	_ =	shalt  }
0x81: {  	_ =	shalt  }
0x82: {  	_ =	shalt  }
0x83: {  	_ =	shalt  }
0x84: {  	_ =	shalt  }
0x85: {  	_ =	shalt  }
0x86: {  	_ =	shalt  }
0x87: {  	_ =	shalt  }
.Lfunc_end0:
.L_simem_size_0:
called_computation.1_lowered:
.L_overlay_start_0:
0x88: {  	s2 =	sld [smem:$0x3FD9]  }
0x89: {  	s3 =	sld [smem:$0x3FFE];
	_ =	sdelay $0x1  }
0x8a: {  	s1 =	srdreg.scid  }
0x8b: {  	s0 =	sand.u32 $0x1, s1  }
0x8c: {  	s17 =	sshll.u32 s0, $0xA;
	s2 =	sadd.s32 s3, s2  }
0x8d: {  	s2 =	sadd.s32 s2, s17  }
0x8e: {  	[smem:$0x3FC0] =	sst s2  }
0x8f: {  	_ = 	snop  }
0x90: {  	s2 =	sld [smem:$0x3FD0];
	(tm) =	ssettm $0x1  }
0x91: {  	s18 =	sld [smem:$0x3FFB];
	_ =	sdelay $0x3  }
0x92: {  	_ =	strace s18  }
0x93: {  	s3 =	sld [smem:$0x3FFC];
	_ =	sdelay $0x3  }
0x94: {  	_ =	strace s3  }
0x95: {  	s3 =	sld [smem:$0x3FFD];
	_ =	sdelay $0x3  }
0x96: {  	_ =	strace s3  }
0x97: {  	_ =	strace $0x8FFFFFFF  }
0x98: {  	s19 =	sld [smem:$0x3FDB];
	_ =	sdelay $0x1  }
0x99: {  	s4 =	simm.s32 $_scs_section_size  }
0x9a: {  	s5 =	simm.s32 $_size__tile_overlayer_lowered;
	s6 =	simm.s32 $_tile_overlayer_lowered  }
0x9b: {  	s22 =	simm.s32 $0x1BFF;
	s21 =	sshll.u32 s6, $0x1;
	s3 =	sadd.s32 s4, s19  }
0x9c: {  	s7 =	simm.s32 $0x0;
	s20 =	sshll.u32 s5, $0x1;
	s5 =	sadd.s32 s21, s3  }
0x9d: {  	[timem:s7], [sflag:s22] =	dma.local [hbm:s5], s20  }
0x9e: {  	_ =	swait.ge [sflag:s22], s20  }
0x9f: {  	s4 =	ssub.s32 $0x0, s20;
	[sflag:s22] =	ssyncset.done $0x0  }
0xa0: {  	[sflag:s22] =	ssyncadd.s32 s4;
	_ =	sdelay $0x1  }
0xa1: {  	s23 =	simm.s32 $0x1B8B  }
0xa2: {  	_ =	swait.ge [sflag:s23], $0x1  }
0xa3: {  	[sflag:s23] =	ssyncset.done $0x0  }
0xa4: {  	s25 =	simm.s32 $0x1B8E;
	s24 =	sld [smem:$0x3FFE];
	[sflag:s23] =	ssyncadd.s32 $0xFFFFFFFF  }
0xa5: {  	s26 =	simm.s32 $execute0_lowered;
	[smem:$0x3FD2] =	sst s25  }
0xa6: {  	s5 =	sshll.u32 s26, $0x1;
	_ =	strace $0x80000049;
	[dreg:$0x1] =	wrdreg $0xFFFFFFFF  }
0xa7: {  	s28 =	simm.s32 $_size_execute0_lowered;
	s3 =	sadd.s32 s3, s5;
	[dreg:$0x0] =	wrdreg $0x0  }
0xa8: {  	s5 =	sshll.u32 s28, $0x1;
	[dreg:$0x2] =	wrdreg s3  }
0xa9: {  	[dreg:$0x3] =	wrdreg s5  }
0xaa: {  	[dreg:$0x4] =	wrdreg $0xC0  }
0xab: {  	_ =	task [dreg:s7], $0x5FFFF  }
0xac: {  	[dreg:$0x1] =	wrdreg $0xFFFFFFFF  }
0xad: {  	[dreg:$0x0] =	wrdreg $0x60  }
0xae: {  	[dreg:$0x2] =	wrdreg s24  }
0xaf: {  	[dreg:$0x3] =	wrdreg s2  }
0xb0: {  	[dreg:$0x4] =	wrdreg $0x9  }
0xb1: {  	_ =	task.clear_ibuf [dreg:s7], $0x5FFFF;
	_ =	strace $0x90000049  }
0xb2: {  	s29 =	simm.s32 $0x9;
	_ =	strace $0x8000004B  }
0xb3: {  	_ =	swait.ge [sflag:s29], $0x1  }
0xb4: {  	[sflag:s29] =	ssyncadd.s32 $0xFFFFFFFF  }
0xb5: {  	_ =	strace $0x9000004B  }
0xb6: {  	_ =	sfence  }
0xb7: {  	s30 =	sld [smem:$0x0];
	_ =	sdelay $0x2  }
0xb8: {  	s31 =	sshll.u32 s1, $0xD;
	s1 =	sshrl.u32 s1, $0x2  }
0xb9: {  	s3 =	sand.u32 $0x4000, s31;
	s1 =	sadd.s32 s1, s30  }
0xba: {  	s0 =	sor.u32 s3, s0;
	s1 =	sshll.u32 s1, $0x11  }
0xbb: {  	s0 =	sor.u32 s1, s0  }
0xbc: {  	s0 =	sadd.s32 $0x8F2B, s0  }
0xbd: {  	[sflag:s0] =	ssyncadd.remote.s32 $0x1  }
0xbe: {  	_ =	sfence.sel $0xFFFF  }
0xbf: {  	[dreg:$0x0] =	wrdreg $0xFFFFFFFF;
	(pc) =	sbr.abs _section_cstart, $3  }
0xc0: {  	[dreg:$0x1] =	wrdreg $0xFFFFFFFF  }
0xc1: {  	_ =	task.clear_ibuf [dreg:s7], $0x2FFFF;
	_ =	strace $0x9FFFFFFF  }
0xc2: {  	(tm) =	ssettm $0x7FFFFFFF  }
0xc3: {  	_ =	shalt  }
tec
execute0_lowered:
.L_overlay_start_1:
0x0: {  	(tag) =	ssettag $0x1  }
0x1: {  	s1 =	srdreg.scid  }
0x2: {  	s8 =	rddreg [dreg:$0x0];
	s0 =	stileid.u32  }
0x3: {  	s3 =	rddreg [dreg:$0x1];
	s2 =	simm.s32 $0x0;
	s6 =	sand.u32 $0x1, s1  }
0x4: {  	s4 =	sshll.u32 s0, $0x8;
	s1 =	rddreg [dreg:$0x2];
	s5 =	sshll.u32 s6, $0x7  }
0x5: {  	s7 =	simm.s32 $0x1;
	[smem:$0x7FF] =	sst s2;
	s9 =	sor.u32 s5, s4  }
0x6: {  	_ =	strace $0x8000004A;
	s10 =	ssub.s32 $0x2, s6;
	s4 =	sshrl.u32 s9, $0x3  }
0x7: {  	s6 =	simm.s32 $0x80;
	s4 =	sadd.s32 s3, s4;
	s3 =	simm.s32 $0x2  }
0x8: {  	[tilespmem:s2], [sflag:$0x2] =	stream.linear.gather [hbm4b:s4+s2], $0x80, $0x38;
	[tilespmem:$0x4080] =	vst v63  }
0x9: {  	s5 =	sadd.s32 $0x1600, s8;
	s11 =	sshrl.u32 s10, $0x1;
	_ =	swait.ge [sflag:s3], $0x80  }
0xa: {  	s9 =	sshll.u32 s9, $0x4;
	s31 =	ssub.s32 s10, s11;
	[sflag:s3] =	ssyncset.done $0x0  }
0xb: {  	s8 =	sadd.s32 s9, s8;
	s9 =	smax.u32 s31, $0x1;
	[sflag:s3] =	ssyncadd.s32 $0xFFFFFF80  }
0xc: {  	[tilespmem:s6], [sflag:$0x1] =	stream.indirect.gather [hbm4b:s5+s6], $0x80, s2, s6, $0xb8;
	[tilespmem:$0x4080] =	vst v63  }
0xd: {  	p0 =	sne.s32 s9, $0x1;
	_ =	swait.ge [sflag:s7], $0x4000  }
.Ltmp0:
0xe: {  	[sflag:s7] =	ssyncset.done $0x0;
	(pc) =	sbr.rel @!p0 .LBB2_2-.Ltmp0, $4  }
0xf: {  	s8 =	sadd.s32 $0x18600, s8;
	[sflag:s7] =	ssyncadd.s32 $0xFFFFC000  }
0x10: {  	[hbm4b:s8+s2] =	stream.linear.scatter [tilespmem:s6], [sflag:$0x2], $0x4000, $0x38;
	[tilespmem:$0x4080] =	vst v63  }
0x11: {  	_ =	swait.ge [sflag:s3], $0x4000  }
0x12: {  	s9 =	sadd.s32 $0xFFFFFFFF, s9;
	[sflag:s3] =	ssyncset.done $0x0  }
.LBB2_1:
0x13: {  	p0 =	sne.s32 s9, $0x1;
	s9 =	sadd.s32 $0xFFFFFFFF, s9;
	[sflag:s3] =	ssyncadd.s32 $0xFFFFC000  }
0x14: {  	[tilespmem:s2], [sflag:$0x2] =	stream.linear.gather [hbm4b:s4+s2], $0x80, $0x38;
	[tilespmem:$0x4080] =	vst v63  }
0x15: {  	_ =	swait.ge [sflag:s3], $0x80  }
0x16: {  	[sflag:s3] =	ssyncset.done $0x0  }
0x17: {  	[sflag:s3] =	ssyncadd.s32 $0xFFFFFF80  }
0x18: {  	[tilespmem:s6], [sflag:$0x1] =	stream.indirect.gather [hbm4b:s5+s6], $0x80, s2, s6, $0xb8;
	[tilespmem:$0x4080] =	vst v63  }
0x19: {  	_ =	swait.ge [sflag:s7], $0x4000  }
.Ltmp1:
0x1a: {  	[sflag:s7] =	ssyncset.done $0x0;
	(pc) =	sbr.rel @p0 .LBB2_1-.Ltmp1, $4  }
0x1b: {  	[sflag:s7] =	ssyncadd.s32 $0xFFFFC000  }
0x1c: {  	[hbm4b:s8+s2] =	stream.linear.scatter [tilespmem:s6], [sflag:$0x2], $0x4000, $0x38;
	[tilespmem:$0x4080] =	vst v63  }
0x1d: {  	_ =	swait.ge [sflag:s3], $0x4000  }
0x1e: {  	[sflag:s3] =	ssyncset.done $0x0  }
.LBB2_2:
0x1f: {  	[sflag:s3] =	ssyncadd.s32 $0xFFFFC000  }
0x20: {  	_ =	sfence.sel $0x180000  }
0x21: {  	[bflag:$0x0] =	sbarrier.arrive $0xFFFF  }
0x22: {  	p0 =	sne.s32 s0, $0x0;
	_ =	strace $0x9000004A  }
0x23: {  	s0 =	sadd.s32 @!p0 $0x100000, s1;
	[bflag:$0x2] =	sbarrier.arrive $0xFFFF  }
0x24: {  	[sflag:s0] =	ssyncadd.tile.s32 @!p0 $0x1;
	_ =	shalt  }
.Lfunc_end2:
_tile_overlayer_lowered:
.L_overlay_start_2:
0x25: {  	(tag) =	ssettag $0x2  }
0x26: {  	s0 =	rddreg [dreg:$0x0];
	s2 =	stileid.u32  }
0x27: {  	s1 =	rddreg [dreg:$0x1];
	p0 =	sne.s32 s2, $0x0  }
0x28: {  	s3 =	rddreg [dreg:$0x2];
	[bflag:$0x3] =	sbarrier.arrive $0xFFFF;
	s2 =	simm.s32 @!p0 $0x1C02  }
0x29: {  	[timem:s3], [sflag:s2] =	dma.local @!p0 [hbm:s0], s1  }
0x2a: {  	s0 =	simm.s32 @!p0 $0x2  }
0x2b: {  	_ =	swait.ge @!p0 [sflag:s0], s1  }
0x2c: {  	s1 =	ssub.s32 @!p0 $0x0, s1;
	[sflag:s0] =	ssyncset.done @!p0 $0x0  }
0x2d: {  	[sflag:s0] =	ssyncadd.s32 @!p0 s1  }
0x2e: {  	[bflag:$0x3] =	sbarrier.arrive $0xFFFF  }
0x2f: {  	_ =	shalt  }

</sc_bundles>
